<compile_context>
chip_gen: v7x
topology: tpu7x:2x2x1
jax: 0.10.2.dev20260603
libtpu: 0.0.44.dev20260713+nightly
codegen_flags: <defaults>
</compile_context>

<pallas_src>
import functools

import jax
import jax.numpy as jnp
from jax import lax
from jax.experimental import pallas as pl
from jax.experimental.pallas import tpu as pltpu
from jax.experimental.pallas import tpu_sc as plsc

BATCH = 16384
HIST = 50
DIM = 64
B = BATCH * HIST
NUM_CORES = 2
NUM_SUBCORES = 16
NW = NUM_CORES * NUM_SUBCORES
B_PER_W = B // NW
CHUNK = 128
N_CHUNKS = B_PER_W // CHUNK
K = 8
D = 4


def _gather_body(idx_hbm, table_hbm, out_hbm, idx_v, *scr):
    bufs = scr[0:K]
    gsem = scr[K:2 * K]
    ssem = scr[2 * K:3 * K]

    wid = lax.axis_index("s") * NUM_CORES + lax.axis_index("c")
    base = wid * B_PER_W
    pltpu.sync_copy(idx_hbm.at[wid], idx_v)

    def fire_g(c, slot):
        pltpu.async_copy(table_hbm.at[idx_v.at[c]], bufs[slot], gsem[slot])

    def wait_g(c, slot):
        pltpu.make_async_copy(
            table_hbm.at[idx_v.at[c]], bufs[slot], gsem[slot]).wait()

    def fire_s(c, slot):
        pltpu.async_copy(
            bufs[slot], out_hbm.at[pl.ds(base + c * CHUNK, CHUNK)], ssem[slot])

    def wait_s(c, slot):
        pltpu.make_async_copy(
            bufs[slot], out_hbm.at[pl.ds(base + c * CHUNK, CHUNK)],
            ssem[slot]).wait()

    for c in range(K):
        fire_g(c, c)
        if c >= D:
            wait_g(c - D, c - D)
            fire_s(c - D, c - D)

    def outer(ii, carry):
        i = K + ii * K
        for b in range(K):
            c = i + b
            wait_s(c - K, b)
            fire_g(c, b)
            sb = (b + K - D) % K
            wait_g(c - D, sb)
            fire_s(c - D, sb)
        return carry

    lax.fori_loop(0, (N_CHUNKS - K) // K, outer, 0)

    for r in range(N_CHUNKS - D, N_CHUNKS):
        wait_g(r, r % K)
        fire_s(r, r % K)
    for r in range(N_CHUNKS - K, N_CHUNKS):
        wait_s(r, r % K)


@jax.jit
def _gather(idx, table):
    mesh = plsc.VectorSubcoreMesh(core_axis_name="c", subcore_axis_name="s")
    scratch = [pltpu.VMEM((N_CHUNKS, CHUNK), jnp.int32)]
    scratch += [pltpu.VMEM((CHUNK, DIM), jnp.float32) for _ in range(K)]
    scratch += [pltpu.SemaphoreType.DMA for _ in range(2 * K)]
    kfn = functools.partial(
        pl.kernel,
        mesh=mesh,
        out_type=jax.ShapeDtypeStruct((B, DIM), jnp.float32),
        scratch_types=scratch,
        compiler_params=pltpu.CompilerParams(use_tc_tiling_on_sc=False),
    )(_gather_body)
    return kfn(idx, table)


def _smooth_body(time_ref, bw_ref, out_ref):
    t = lax.broadcasted_iota(jnp.int32, (24, 24), 1)
    tn = lax.broadcasted_iota(jnp.int32, (24, 24), 0)
    d = jnp.abs(t - tn).astype(jnp.float32)
    dist = jnp.minimum(d, 24.0 - d)
    z = dist / bw_ref[0]
    w = jnp.exp(-0.5 * z * z)
    out_ref[...] = jnp.dot(w, time_ref[...], preferred_element_type=jnp.float32)


@jax.jit
def _smooth(time_table, bandwidth):
    return pl.pallas_call(
        _smooth_body,
        out_shape=jax.ShapeDtypeStruct((24, DIM), jnp.float32),
        in_specs=[
            pl.BlockSpec(memory_space=pltpu.VMEM),
            pl.BlockSpec(memory_space=pltpu.SMEM),
        ],
        out_specs=pl.BlockSpec(memory_space=pltpu.VMEM),
    )(time_table, bandwidth)


def kernel(location_x, loc_table, user_table, time_table, bandwidth):
    idx = location_x.reshape(NW, N_CHUNKS, CHUNK)
    loc_flat = _gather(idx, loc_table)
    loc_embedded = loc_flat.reshape(BATCH, HIST, DIM)
    smoothed = _smooth(time_table, bandwidth)
    return (loc_embedded, time_table, smoothed, user_table)

# --- scband reference (transcript-rebuilt; emitter-appended) ---
"""Pipeline reference for scband-multimodal-contextual-embedding-29334626632392 (READ-ONLY COPY).

The authoritative reference and input builder live on the scoring server;
editing this copy changes nothing except your own understanding.
"""

import jax, jax.numpy as jnp
import numpy as np

NUM_LOCATIONS = 1000000
NUM_USERS = 100000
BASE_DIM = 64
BATCH = 16384
HIST = 50


def setup_inputs(seed: int = 0) -> dict:
    key = jax.random.key(seed)
    k1, k2, k3, k4 = jax.random.split(key, 4)
    location_x = jax.random.randint(k1, (BATCH, HIST), 0, NUM_LOCATIONS)
    loc_table = jax.random.normal(k2, (NUM_LOCATIONS, BASE_DIM), dtype=jnp.float32) * 0.02
    user_table = jax.random.normal(k3, (NUM_USERS, BASE_DIM), dtype=jnp.float32) * 0.02
    time_table = jax.random.normal(k4, (24, BASE_DIM), dtype=jnp.float32) * 0.02
    bandwidth = jnp.ones((1,), dtype=jnp.float32) + 1e-06
    return {"location_x": location_x, "loc_table": loc_table, "user_table": user_table, "time_table": time_table, "bandwidth": bandwidth}


def _gaussian_kernel(timestamps, tn, bandwidth):
    d = jnp.abs(timestamps - tn)
    dist = jnp.minimum(d, 24.0 - d)
    return jnp.exp(-0.5 * (dist / bandwidth) ** 2)


def reference(location_x, loc_table, user_table, time_table, bandwidth):
    # location embedding lookup (the memory-bound gather)
    loc_embedded = jnp.take(loc_table, location_x, axis=0)
    # full-table gathers via arange, matching the torch module
    user_embedded = jnp.take(user_table, jnp.arange(NUM_USERS), axis=0)
    timeslot_embedded = jnp.take(time_table, jnp.arange(24), axis=0)
    # kernel-smoothed timeslot embeddings
    t = jnp.arange(24, dtype=jnp.float32)
    smoothed_list = []
    for tn in range(24):
        kernel_weights = _gaussian_kernel(t, float(tn), bandwidth).reshape(24, 1)
        smoothed = jnp.sum(kernel_weights * timeslot_embedded, axis=0)
        smoothed_list.append(smoothed)
    smoothed_timeslot_embedded = jnp.stack(smoothed_list, axis=0)
    return (loc_embedded, timeslot_embedded, smoothed_timeslot_embedded, user_embedded)

if __name__ == "__main__":
    import jax
    _d = setup_inputs()
    print(jax.jit(kernel)(*tuple(_d.values())))

</pallas_src>

<mosaic_0001>
#map = affine_map<(d0, d1) -> (0, 0, 0)>
#map1 = affine_map<(d0, d1) -> (0, 0)>
module attributes {stable_mosaic.version = 14 : i64} {
  func.func @_gather_body(%arg0: i32, %arg1: i32, %arg2: memref<32x200x128xi32, #tpu.memory_space<hbm>>, %arg3: memref<1000000x64xf32, #tpu.memory_space<hbm>>, %arg4: memref<819200x64xf32, #tpu.memory_space<hbm>>, %arg5: memref<200x128xi32, #tpu.memory_space<vmem>>, %arg6: memref<128x64xf32, #tpu.memory_space<vmem>>, %arg7: memref<128x64xf32, #tpu.memory_space<vmem>>, %arg8: memref<128x64xf32, #tpu.memory_space<vmem>>, %arg9: memref<128x64xf32, #tpu.memory_space<vmem>>, %arg10: memref<128x64xf32, #tpu.memory_space<vmem>>, %arg11: memref<128x64xf32, #tpu.memory_space<vmem>>, %arg12: memref<128x64xf32, #tpu.memory_space<vmem>>, %arg13: memref<128x64xf32, #tpu.memory_space<vmem>>, %arg14: memref<!tpu.dma_semaphore, #tpu.memory_space<semaphore_mem>>, %arg15: memref<!tpu.dma_semaphore, #tpu.memory_space<semaphore_mem>>, %arg16: memref<!tpu.dma_semaphore, #tpu.memory_space<semaphore_mem>>, %arg17: memref<!tpu.dma_semaphore, #tpu.memory_space<semaphore_mem>>, %arg18: memref<!tpu.dma_semaphore, #tpu.memory_space<semaphore_mem>>, %arg19: memref<!tpu.dma_semaphore, #tpu.memory_space<semaphore_mem>>, %arg20: memref<!tpu.dma_semaphore, #tpu.memory_space<semaphore_mem>>, %arg21: memref<!tpu.dma_semaphore, #tpu.memory_space<semaphore_mem>>, %arg22: memref<!tpu.dma_semaphore, #tpu.memory_space<semaphore_mem>>, %arg23: memref<!tpu.dma_semaphore, #tpu.memory_space<semaphore_mem>>, %arg24: memref<!tpu.dma_semaphore, #tpu.memory_space<semaphore_mem>>, %arg25: memref<!tpu.dma_semaphore, #tpu.memory_space<semaphore_mem>>, %arg26: memref<!tpu.dma_semaphore, #tpu.memory_space<semaphore_mem>>, %arg27: memref<!tpu.dma_semaphore, #tpu.memory_space<semaphore_mem>>, %arg28: memref<!tpu.dma_semaphore, #tpu.memory_space<semaphore_mem>>, %arg29: memref<!tpu.dma_semaphore, #tpu.memory_space<semaphore_mem>>) attributes {dimension_semantics = [#tpu.dimension_semantics<core_parallel>, #tpu.dimension_semantics<subcore_parallel>], iteration_bounds = array<i64: 2, 16>, scalar_prefetch = 0 : i64, scratch_operands = 25 : i64, tpu.core_type = #tpu.core_type<sc_vector_subcore>, window_params = [{transform_indices = #map}, {transform_indices = #map1}, {transform_indices = #map1}]} {
    %mul3A = arith.constant 2 : i32
    %mul3A_0 = arith.muli %arg1, %mul3A : i32
    %add3A = arith.addi %mul3A_0, %arg0 : i32
    %mul3A_1 = arith.constant 25600 : i32
    %mul3A_2 = arith.muli %add3A, %mul3A_1 : i32
    "tpu.region"() ({
      %run_scoped3A = tpu.sem_alloc : memref<!tpu.dma_semaphore, #tpu.memory_space<semaphore_mem>>
      %dma_start3A_214 = arith.constant 0 : i32
      %dma_start3A_215 = arith.constant 0 : i32
      %dma_start3A_216 = tpu.memref_slice %arg2[%add3A, %dma_start3A_214, %dma_start3A_215] : memref<32x200x128xi32, #tpu.memory_space<hbm>> -> memref<1x200x128xi32, #tpu.memory_space<hbm>>
      %dma_start3A_217 = tpu.memref_squeeze %dma_start3A_216 : memref<1x200x128xi32, #tpu.memory_space<hbm>> -> memref<200x128xi32, #tpu.memory_space<hbm>>
      %dma_start3A_218 = arith.constant 0 : i32
      %dma_start3A_219 = arith.constant 0 : i32
      %dma_start3A_220 = tpu.memref_slice %arg2[%add3A, %dma_start3A_218, %dma_start3A_219] : memref<32x200x128xi32, #tpu.memory_space<hbm>> -> memref<1x200x128xi32, #tpu.memory_space<hbm>>
      %dma_start3A_221 = tpu.memref_squeeze %dma_start3A_220 : memref<1x200x128xi32, #tpu.memory_space<hbm>> -> memref<200x128xi32, #tpu.memory_space<hbm>>
      tpu.enqueue_dma source(%dma_start3A_221 : memref<200x128xi32, #tpu.memory_space<hbm>>) target(%arg5 : memref<200x128xi32, #tpu.memory_space<vmem>>) target_semaphore(%run_scoped3A : memref<!tpu.dma_semaphore, #tpu.memory_space<semaphore_mem>>)
      %dma_wait3A_222 = arith.constant 0 : i32
      %dma_wait3A_223 = arith.constant 0 : i32
      %dma_wait3A_224 = tpu.memref_slice %arg2[%add3A, %dma_wait3A_222, %dma_wait3A_223] : memref<32x200x128xi32, #tpu.memory_space<hbm>> -> memref<1x200x128xi32, #tpu.memory_space<hbm>>
      %dma_wait3A_225 = tpu.memref_squeeze %dma_wait3A_224 : memref<1x200x128xi32, #tpu.memory_space<hbm>> -> memref<200x128xi32, #tpu.memory_space<hbm>>
      %dma_wait3A_226 = arith.constant 0 : i32
      %dma_wait3A_227 = arith.constant 0 : i32
      %dma_wait3A_228 = tpu.memref_slice %arg2[%add3A, %dma_wait3A_226, %dma_wait3A_227] : memref<32x200x128xi32, #tpu.memory_space<hbm>> -> memref<1x200x128xi32, #tpu.memory_space<hbm>>
      %dma_wait3A_229 = tpu.memref_squeeze %dma_wait3A_228 : memref<1x200x128xi32, #tpu.memory_space<hbm>> -> memref<200x128xi32, #tpu.memory_space<hbm>>
      tpu.wait_dma2 semaphore(%run_scoped3A : memref<!tpu.dma_semaphore, #tpu.memory_space<semaphore_mem>>) src(%dma_wait3A_229 : memref<200x128xi32, #tpu.memory_space<hbm>>) dst(%arg5 : memref<200x128xi32, #tpu.memory_space<vmem>>)
      tpu.yield
    }) : () -> ()
    %dma_start3A = arith.constant 0 : i32
    %dma_start3A_3 = arith.constant 0 : i32
    %dma_start3A_4 = tpu.memref_slice %arg5[%dma_start3A, %dma_start3A_3] : memref<200x128xi32, #tpu.memory_space<vmem>> -> memref<1x128xi32, #tpu.memory_space<vmem>>
    %dma_start3A_5 = tpu.memref_squeeze %dma_start3A_4 : memref<1x128xi32, #tpu.memory_space<vmem>> -> memref<128xi32, #tpu.memory_space<vmem>>
    %dma_start3A_6 = arith.constant 0 : i32
    %dma_start3A_7 = arith.constant 0 : i32
    %dma_start3A_8 = tpu.memref_slice %arg3[%dma_start3A_6, %dma_start3A_7] : memref<1000000x64xf32, #tpu.memory_space<hbm>> -> memref<1000000x64xf32, #tpu.memory_space<hbm>>
    tpu.enqueue_indirect_dma source(%dma_start3A_8 : memref<1000000x64xf32, #tpu.memory_space<hbm>>) target(%arg6 : memref<128x64xf32, #tpu.memory_space<vmem>>) offsets(%dma_start3A_5 : memref<128xi32, #tpu.memory_space<vmem>>) semaphore(%arg14 : memref<!tpu.dma_semaphore, #tpu.memory_space<semaphore_mem>>)
    %dma_start3A_9 = arith.constant 1 : i32
    %dma_start3A_10 = arith.constant 0 : i32
    %dma_start3A_11 = tpu.memref_slice %arg5[%dma_start3A_9, %dma_start3A_10] : memref<200x128xi32, #tpu.memory_space<vmem>> -> memref<1x128xi32, #tpu.memory_space<vmem>>
    %dma_start3A_12 = tpu.memref_squeeze %dma_start3A_11 : memref<1x128xi32, #tpu.memory_space<vmem>> -> memref<128xi32, #tpu.memory_space<vmem>>
    %dma_start3A_13 = arith.constant 0 : i32
    %dma_start3A_14 = arith.constant 0 : i32
    %dma_start3A_15 = tpu.memref_slice %arg3[%dma_start3A_13, %dma_start3A_14] : memref<1000000x64xf32, #tpu.memory_space<hbm>> -> memref<1000000x64xf32, #tpu.memory_space<hbm>>
    tpu.enqueue_indirect_dma source(%dma_start3A_15 : memref<1000000x64xf32, #tpu.memory_space<hbm>>) target(%arg7 : memref<128x64xf32, #tpu.memory_space<vmem>>) offsets(%dma_start3A_12 : memref<128xi32, #tpu.memory_space<vmem>>) semaphore(%arg15 : memref<!tpu.dma_semaphore, #tpu.memory_space<semaphore_mem>>)
    %dma_start3A_16 = arith.constant 2 : i32
    %dma_start3A_17 = arith.constant 0 : i32
    %dma_start3A_18 = tpu.memref_slice %arg5[%dma_start3A_16, %dma_start3A_17] : memref<200x128xi32, #tpu.memory_space<vmem>> -> memref<1x128xi32, #tpu.memory_space<vmem>>
    %dma_start3A_19 = tpu.memref_squeeze %dma_start3A_18 : memref<1x128xi32, #tpu.memory_space<vmem>> -> memref<128xi32, #tpu.memory_space<vmem>>
    %dma_start3A_20 = arith.constant 0 : i32
    %dma_start3A_21 = arith.constant 0 : i32
    %dma_start3A_22 = tpu.memref_slice %arg3[%dma_start3A_20, %dma_start3A_21] : memref<1000000x64xf32, #tpu.memory_space<hbm>> -> memref<1000000x64xf32, #tpu.memory_space<hbm>>
    tpu.enqueue_indirect_dma source(%dma_start3A_22 : memref<1000000x64xf32, #tpu.memory_space<hbm>>) target(%arg8 : memref<128x64xf32, #tpu.memory_space<vmem>>) offsets(%dma_start3A_19 : memref<128xi32, #tpu.memory_space<vmem>>) semaphore(%arg16 : memref<!tpu.dma_semaphore, #tpu.memory_space<semaphore_mem>>)
    %dma_start3A_23 = arith.constant 3 : i32
    %dma_start3A_24 = arith.constant 0 : i32
    %dma_start3A_25 = tpu.memref_slice %arg5[%dma_start3A_23, %dma_start3A_24] : memref<200x128xi32, #tpu.memory_space<vmem>> -> memref<1x128xi32, #tpu.memory_space<vmem>>
    %dma_start3A_26 = tpu.memref_squeeze %dma_start3A_25 : memref<1x128xi32, #tpu.memory_space<vmem>> -> memref<128xi32, #tpu.memory_space<vmem>>
    %dma_start3A_27 = arith.constant 0 : i32
    %dma_start3A_28 = arith.constant 0 : i32
    %dma_start3A_29 = tpu.memref_slice %arg3[%dma_start3A_27, %dma_start3A_28] : memref<1000000x64xf32, #tpu.memory_space<hbm>> -> memref<1000000x64xf32, #tpu.memory_space<hbm>>
    tpu.enqueue_indirect_dma source(%dma_start3A_29 : memref<1000000x64xf32, #tpu.memory_space<hbm>>) target(%arg9 : memref<128x64xf32, #tpu.memory_space<vmem>>) offsets(%dma_start3A_26 : memref<128xi32, #tpu.memory_space<vmem>>) semaphore(%arg17 : memref<!tpu.dma_semaphore, #tpu.memory_space<semaphore_mem>>)
    %dma_start3A_30 = arith.constant 4 : i32
    %dma_start3A_31 = arith.constant 0 : i32
    %dma_start3A_32 = tpu.memref_slice %arg5[%dma_start3A_30, %dma_start3A_31] : memref<200x128xi32, #tpu.memory_space<vmem>> -> memref<1x128xi32, #tpu.memory_space<vmem>>
    %dma_start3A_33 = tpu.memref_squeeze %dma_start3A_32 : memref<1x128xi32, #tpu.memory_space<vmem>> -> memref<128xi32, #tpu.memory_space<vmem>>
    %dma_start3A_34 = arith.constant 0 : i32
    %dma_start3A_35 = arith.constant 0 : i32
    %dma_start3A_36 = tpu.memref_slice %arg3[%dma_start3A_34, %dma_start3A_35] : memref<1000000x64xf32, #tpu.memory_space<hbm>> -> memref<1000000x64xf32, #tpu.memory_space<hbm>>
    tpu.enqueue_indirect_dma source(%dma_start3A_36 : memref<1000000x64xf32, #tpu.memory_space<hbm>>) target(%arg10 : memref<128x64xf32, #tpu.memory_space<vmem>>) offsets(%dma_start3A_33 : memref<128xi32, #tpu.memory_space<vmem>>) semaphore(%arg18 : memref<!tpu.dma_semaphore, #tpu.memory_space<semaphore_mem>>)
    %dma_wait3A = arith.constant 0 : i32
    %dma_wait3A_37 = arith.constant 0 : i32
    %dma_wait3A_38 = tpu.memref_slice %arg5[%dma_wait3A, %dma_wait3A_37] : memref<200x128xi32, #tpu.memory_space<vmem>> -> memref<1x128xi32, #tpu.memory_space<vmem>>
    %dma_wait3A_39 = tpu.memref_squeeze %dma_wait3A_38 : memref<1x128xi32, #tpu.memory_space<vmem>> -> memref<128xi32, #tpu.memory_space<vmem>>
    %dma_wait3A_40 = arith.constant 0 : i32
    %dma_wait3A_41 = arith.constant 0 : i32
    %dma_wait3A_42 = tpu.memref_slice %arg3[%dma_wait3A_40, %dma_wait3A_41] : memref<1000000x64xf32, #tpu.memory_space<hbm>> -> memref<1000000x64xf32, #tpu.memory_space<hbm>>
    tpu.wait_indirect_dma semaphore(%arg14 : memref<!tpu.dma_semaphore, #tpu.memory_space<semaphore_mem>>) src(%dma_wait3A_42 : memref<1000000x64xf32, #tpu.memory_space<hbm>>) dst(%arg6 : memref<128x64xf32, #tpu.memory_space<vmem>>)
    %add3A_43 = arith.constant 0 : i32
    %add3A_44 = arith.addi %mul3A_2, %add3A_43 : i32
    %dma_start3A_45 = arith.constant 0 : i32
    %dma_start3A_46 = tpu.memref_slice %arg4[%add3A_44, %dma_start3A_45] : memref<819200x64xf32, #tpu.memory_space<hbm>> -> memref<128x64xf32, #tpu.memory_space<hbm>>
    %dma_start3A_47 = arith.constant 0 : i32
    %dma_start3A_48 = tpu.memref_slice %arg4[%add3A_44, %dma_start3A_47] : memref<819200x64xf32, #tpu.memory_space<hbm>> -> memref<128x64xf32, #tpu.memory_space<hbm>>
    tpu.enqueue_dma source(%arg6 : memref<128x64xf32, #tpu.memory_space<vmem>>) target(%dma_start3A_48 : memref<128x64xf32, #tpu.memory_space<hbm>>) target_semaphore(%arg22 : memref<!tpu.dma_semaphore, #tpu.memory_space<semaphore_mem>>)
    %dma_start3A_49 = arith.constant 5 : i32
    %dma_start3A_50 = arith.constant 0 : i32
    %dma_start3A_51 = tpu.memref_slice %arg5[%dma_start3A_49, %dma_start3A_50] : memref<200x128xi32, #tpu.memory_space<vmem>> -> memref<1x128xi32, #tpu.memory_space<vmem>>
    %dma_start3A_52 = tpu.memref_squeeze %dma_start3A_51 : memref<1x128xi32, #tpu.memory_space<vmem>> -> memref<128xi32, #tpu.memory_space<vmem>>
    %dma_start3A_53 = arith.constant 0 : i32
    %dma_start3A_54 = arith.constant 0 : i32
    %dma_start3A_55 = tpu.memref_slice %arg3[%dma_start3A_53, %dma_start3A_54] : memref<1000000x64xf32, #tpu.memory_space<hbm>> -> memref<1000000x64xf32, #tpu.memory_space<hbm>>
    tpu.enqueue_indirect_dma source(%dma_start3A_55 : memref<1000000x64xf32, #tpu.memory_space<hbm>>) target(%arg11 : memref<128x64xf32, #tpu.memory_space<vmem>>) offsets(%dma_start3A_52 : memref<128xi32, #tpu.memory_space<vmem>>) semaphore(%arg19 : memref<!tpu.dma_semaphore, #tpu.memory_space<semaphore_mem>>)
    %dma_wait3A_56 = arith.constant 1 : i32
    %dma_wait3A_57 = arith.constant 0 : i32
    %dma_wait3A_58 = tpu.memref_slice %arg5[%dma_wait3A_56, %dma_wait3A_57] : memref<200x128xi32, #tpu.memory_space<vmem>> -> memref<1x128xi32, #tpu.memory_space<vmem>>
    %dma_wait3A_59 = tpu.memref_squeeze %dma_wait3A_58 : memref<1x128xi32, #tpu.memory_space<vmem>> -> memref<128xi32, #tpu.memory_space<vmem>>
    %dma_wait3A_60 = arith.constant 0 : i32
    %dma_wait3A_61 = arith.constant 0 : i32
    %dma_wait3A_62 = tpu.memref_slice %arg3[%dma_wait3A_60, %dma_wait3A_61] : memref<1000000x64xf32, #tpu.memory_space<hbm>> -> memref<1000000x64xf32, #tpu.memory_space<hbm>>
    tpu.wait_indirect_dma semaphore(%arg15 : memref<!tpu.dma_semaphore, #tpu.memory_space<semaphore_mem>>) src(%dma_wait3A_62 : memref<1000000x64xf32, #tpu.memory_space<hbm>>) dst(%arg7 : memref<128x64xf32, #tpu.memory_space<vmem>>)
    %add3A_63 = arith.constant 128 : i32
    %add3A_64 = arith.addi %mul3A_2, %add3A_63 : i32
    %dma_start3A_65 = arith.constant 0 : i32
    %dma_start3A_66 = tpu.memref_slice %arg4[%add3A_64, %dma_start3A_65] : memref<819200x64xf32, #tpu.memory_space<hbm>> -> memref<128x64xf32, #tpu.memory_space<hbm>>
    %dma_start3A_67 = arith.constant 0 : i32
    %dma_start3A_68 = tpu.memref_slice %arg4[%add3A_64, %dma_start3A_67] : memref<819200x64xf32, #tpu.memory_space<hbm>> -> memref<128x64xf32, #tpu.memory_space<hbm>>
    tpu.enqueue_dma source(%arg7 : memref<128x64xf32, #tpu.memory_space<vmem>>) target(%dma_start3A_68 : memref<128x64xf32, #tpu.memory_space<hbm>>) target_semaphore(%arg23 : memref<!tpu.dma_semaphore, #tpu.memory_space<semaphore_mem>>)
    %dma_start3A_69 = arith.constant 6 : i32
    %dma_start3A_70 = arith.constant 0 : i32
    %dma_start3A_71 = tpu.memref_slice %arg5[%dma_start3A_69, %dma_start3A_70] : memref<200x128xi32, #tpu.memory_space<vmem>> -> memref<1x128xi32, #tpu.memory_space<vmem>>
    %dma_start3A_72 = tpu.memref_squeeze %dma_start3A_71 : memref<1x128xi32, #tpu.memory_space<vmem>> -> memref<128xi32, #tpu.memory_space<vmem>>
    %dma_start3A_73 = arith.constant 0 : i32
    %dma_start3A_74 = arith.constant 0 : i32
    %dma_start3A_75 = tpu.memref_slice %arg3[%dma_start3A_73, %dma_start3A_74] : memref<1000000x64xf32, #tpu.memory_space<hbm>> -> memref<1000000x64xf32, #tpu.memory_space<hbm>>
    tpu.enqueue_indirect_dma source(%dma_start3A_75 : memref<1000000x64xf32, #tpu.memory_space<hbm>>) target(%arg12 : memref<128x64xf32, #tpu.memory_space<vmem>>) offsets(%dma_start3A_72 : memref<128xi32, #tpu.memory_space<vmem>>) semaphore(%arg20 : memref<!tpu.dma_semaphore, #tpu.memory_space<semaphore_mem>>)
    %dma_wait3A_76 = arith.constant 2 : i32
    %dma_wait3A_77 = arith.constant 0 : i32
    %dma_wait3A_78 = tpu.memref_slice %arg5[%dma_wait3A_76, %dma_wait3A_77] : memref<200x128xi32, #tpu.memory_space<vmem>> -> memref<1x128xi32, #tpu.memory_space<vmem>>
    %dma_wait3A_79 = tpu.memref_squeeze %dma_wait3A_78 : memref<1x128xi32, #tpu.memory_space<vmem>> -> memref<128xi32, #tpu.memory_space<vmem>>
    %dma_wait3A_80 = arith.constant 0 : i32
    %dma_wait3A_81 = arith.constant 0 : i32
    %dma_wait3A_82 = tpu.memref_slice %arg3[%dma_wait3A_80, %dma_wait3A_81] : memref<1000000x64xf32, #tpu.memory_space<hbm>> -> memref<1000000x64xf32, #tpu.memory_space<hbm>>
    tpu.wait_indirect_dma semaphore(%arg16 : memref<!tpu.dma_semaphore, #tpu.memory_space<semaphore_mem>>) src(%dma_wait3A_82 : memref<1000000x64xf32, #tpu.memory_space<hbm>>) dst(%arg8 : memref<128x64xf32, #tpu.memory_space<vmem>>)
    %add3A_83 = arith.constant 256 : i32
    %add3A_84 = arith.addi %mul3A_2, %add3A_83 : i32
    %dma_start3A_85 = arith.constant 0 : i32
    %dma_start3A_86 = tpu.memref_slice %arg4[%add3A_84, %dma_start3A_85] : memref<819200x64xf32, #tpu.memory_space<hbm>> -> memref<128x64xf32, #tpu.memory_space<hbm>>
    %dma_start3A_87 = arith.constant 0 : i32
    %dma_start3A_88 = tpu.memref_slice %arg4[%add3A_84, %dma_start3A_87] : memref<819200x64xf32, #tpu.memory_space<hbm>> -> memref<128x64xf32, #tpu.memory_space<hbm>>
    tpu.enqueue_dma source(%arg8 : memref<128x64xf32, #tpu.memory_space<vmem>>) target(%dma_start3A_88 : memref<128x64xf32, #tpu.memory_space<hbm>>) target_semaphore(%arg24 : memref<!tpu.dma_semaphore, #tpu.memory_space<semaphore_mem>>)
    %dma_start3A_89 = arith.constant 7 : i32
    %dma_start3A_90 = arith.constant 0 : i32
    %dma_start3A_91 = tpu.memref_slice %arg5[%dma_start3A_89, %dma_start3A_90] : memref<200x128xi32, #tpu.memory_space<vmem>> -> memref<1x128xi32, #tpu.memory_space<vmem>>
    %dma_start3A_92 = tpu.memref_squeeze %dma_start3A_91 : memref<1x128xi32, #tpu.memory_space<vmem>> -> memref<128xi32, #tpu.memory_space<vmem>>
    %dma_start3A_93 = arith.constant 0 : i32
    %dma_start3A_94 = arith.constant 0 : i32
    %dma_start3A_95 = tpu.memref_slice %arg3[%dma_start3A_93, %dma_start3A_94] : memref<1000000x64xf32, #tpu.memory_space<hbm>> -> memref<1000000x64xf32, #tpu.memory_space<hbm>>
    tpu.enqueue_indirect_dma source(%dma_start3A_95 : memref<1000000x64xf32, #tpu.memory_space<hbm>>) target(%arg13 : memref<128x64xf32, #tpu.memory_space<vmem>>) offsets(%dma_start3A_92 : memref<128xi32, #tpu.memory_space<vmem>>) semaphore(%arg21 : memref<!tpu.dma_semaphore, #tpu.memory_space<semaphore_mem>>)
    %dma_wait3A_96 = arith.constant 3 : i32
    %dma_wait3A_97 = arith.constant 0 : i32
    %dma_wait3A_98 = tpu.memref_slice %arg5[%dma_wait3A_96, %dma_wait3A_97] : memref<200x128xi32, #tpu.memory_space<vmem>> -> memref<1x128xi32, #tpu.memory_space<vmem>>
    %dma_wait3A_99 = tpu.memref_squeeze %dma_wait3A_98 : memref<1x128xi32, #tpu.memory_space<vmem>> -> memref<128xi32, #tpu.memory_space<vmem>>
    %dma_wait3A_100 = arith.constant 0 : i32
    %dma_wait3A_101 = arith.constant 0 : i32
    %dma_wait3A_102 = tpu.memref_slice %arg3[%dma_wait3A_100, %dma_wait3A_101] : memref<1000000x64xf32, #tpu.memory_space<hbm>> -> memref<1000000x64xf32, #tpu.memory_space<hbm>>
    tpu.wait_indirect_dma semaphore(%arg17 : memref<!tpu.dma_semaphore, #tpu.memory_space<semaphore_mem>>) src(%dma_wait3A_102 : memref<1000000x64xf32, #tpu.memory_space<hbm>>) dst(%arg9 : memref<128x64xf32, #tpu.memory_space<vmem>>)
    %add3A_103 = arith.constant 384 : i32
    %add3A_104 = arith.addi %mul3A_2, %add3A_103 : i32
    %dma_start3A_105 = arith.constant 0 : i32
    %dma_start3A_106 = tpu.memref_slice %arg4[%add3A_104, %dma_start3A_105] : memref<819200x64xf32, #tpu.memory_space<hbm>> -> memref<128x64xf32, #tpu.memory_space<hbm>>
    %dma_start3A_107 = arith.constant 0 : i32
    %dma_start3A_108 = tpu.memref_slice %arg4[%add3A_104, %dma_start3A_107] : memref<819200x64xf32, #tpu.memory_space<hbm>> -> memref<128x64xf32, #tpu.memory_space<hbm>>
    tpu.enqueue_dma source(%arg9 : memref<128x64xf32, #tpu.memory_space<vmem>>) target(%dma_start3A_108 : memref<128x64xf32, #tpu.memory_space<hbm>>) target_semaphore(%arg25 : memref<!tpu.dma_semaphore, #tpu.memory_space<semaphore_mem>>)
    %scan3A = arith.constant 0 : i32
    %scan3A_109 = arith.constant 0 : i32
    %scan3A_110 = arith.constant 24 : i32
    %scan3A_111 = arith.addi %scan3A_109, %scan3A_110 : i32
    %scan3A_112 = arith.constant 1 : i32
    scf.for %scan3A_214 = %scan3A_109 to %scan3A_111 step %scan3A_112  : i32 {
      %mul3A_215 = arith.constant 8 : i32
      %mul3A_216 = arith.muli %scan3A_214, %mul3A_215 : i32
      %add3A_217 = arith.constant 8 : i32
      %add3A_218 = arith.addi %add3A_217, %mul3A_216 : i32
      %add3A_219 = arith.constant 0 : i32
      %add3A_220 = arith.addi %add3A_218, %add3A_219 : i32
      %sub3A = arith.constant 8 : i32
      %sub3A_221 = arith.subi %add3A_220, %sub3A : i32
      %mul3A_222 = arith.constant 128 : i32
      %mul3A_223 = arith.muli %sub3A_221, %mul3A_222 : i32
      %add3A_224 = arith.addi %mul3A_2, %mul3A_223 : i32
      %dma_wait3A_225 = arith.constant 0 : i32
      %dma_wait3A_226 = tpu.memref_slice %arg4[%add3A_224, %dma_wait3A_225] : memref<819200x64xf32, #tpu.memory_space<hbm>> -> memref<128x64xf32, #tpu.memory_space<hbm>>
      %dma_wait3A_227 = arith.constant 0 : i32
      %dma_wait3A_228 = tpu.memref_slice %arg4[%add3A_224, %dma_wait3A_227] : memref<819200x64xf32, #tpu.memory_space<hbm>> -> memref<128x64xf32, #tpu.memory_space<hbm>>
      tpu.wait_dma2 semaphore(%arg22 : memref<!tpu.dma_semaphore, #tpu.memory_space<semaphore_mem>>) src(%arg6 : memref<128x64xf32, #tpu.memory_space<vmem>>) dst(%dma_wait3A_228 : memref<128x64xf32, #tpu.memory_space<hbm>>)
      %dma_start3A_229 = arith.constant 0 : i32
      %dma_start3A_230 = tpu.memref_slice %arg5[%add3A_220, %dma_start3A_229] : memref<200x128xi32, #tpu.memory_space<vmem>> -> memref<1x128xi32, #tpu.memory_space<vmem>>
      %dma_start3A_231 = tpu.memref_squeeze %dma_start3A_230 : memref<1x128xi32, #tpu.memory_space<vmem>> -> memref<128xi32, #tpu.memory_space<vmem>>
      %dma_start3A_232 = arith.constant 0 : i32
      %dma_start3A_233 = arith.constant 0 : i32
      %dma_start3A_234 = tpu.memref_slice %arg3[%dma_start3A_232, %dma_start3A_233] : memref<1000000x64xf32, #tpu.memory_space<hbm>> -> memref<1000000x64xf32, #tpu.memory_space<hbm>>
      tpu.enqueue_indirect_dma source(%dma_start3A_234 : memref<1000000x64xf32, #tpu.memory_space<hbm>>) target(%arg6 : memref<128x64xf32, #tpu.memory_space<vmem>>) offsets(%dma_start3A_231 : memref<128xi32, #tpu.memory_space<vmem>>) semaphore(%arg14 : memref<!tpu.dma_semaphore, #tpu.memory_space<semaphore_mem>>)
      %sub3A_235 = arith.constant 4 : i32
      %sub3A_236 = arith.subi %add3A_220, %sub3A_235 : i32
      %dma_wait3A_237 = arith.constant 0 : i32
      %dma_wait3A_238 = tpu.memref_slice %arg5[%sub3A_236, %dma_wait3A_237] : memref<200x128xi32, #tpu.memory_space<vmem>> -> memref<1x128xi32, #tpu.memory_space<vmem>>
      %dma_wait3A_239 = tpu.memref_squeeze %dma_wait3A_238 : memref<1x128xi32, #tpu.memory_space<vmem>> -> memref<128xi32, #tpu.memory_space<vmem>>
      %dma_wait3A_240 = arith.constant 0 : i32
      %dma_wait3A_241 = arith.constant 0 : i32
      %dma_wait3A_242 = tpu.memref_slice %arg3[%dma_wait3A_240, %dma_wait3A_241] : memref<1000000x64xf32, #tpu.memory_space<hbm>> -> memref<1000000x64xf32, #tpu.memory_space<hbm>>
      tpu.wait_indirect_dma semaphore(%arg18 : memref<!tpu.dma_semaphore, #tpu.memory_space<semaphore_mem>>) src(%dma_wait3A_242 : memref<1000000x64xf32, #tpu.memory_space<hbm>>) dst(%arg10 : memref<128x64xf32, #tpu.memory_space<vmem>>)
      %sub3A_243 = arith.constant 4 : i32
      %sub3A_244 = arith.subi %add3A_220, %sub3A_243 : i32
      %mul3A_245 = arith.constant 128 : i32
      %mul3A_246 = arith.muli %sub3A_244, %mul3A_245 : i32
      %add3A_247 = arith.addi %mul3A_2, %mul3A_246 : i32
      %dma_start3A_248 = arith.constant 0 : i32
      %dma_start3A_249 = tpu.memref_slice %arg4[%add3A_247, %dma_start3A_248] : memref<819200x64xf32, #tpu.memory_space<hbm>> -> memref<128x64xf32, #tpu.memory_space<hbm>>
      %dma_start3A_250 = arith.constant 0 : i32
      %dma_start3A_251 = tpu.memref_slice %arg4[%add3A_247, %dma_start3A_250] : memref<819200x64xf32, #tpu.memory_space<hbm>> -> memref<128x64xf32, #tpu.memory_space<hbm>>
      tpu.enqueue_dma source(%arg10 : memref<128x64xf32, #tpu.memory_space<vmem>>) target(%dma_start3A_251 : memref<128x64xf32, #tpu.memory_space<hbm>>) target_semaphore(%arg26 : memref<!tpu.dma_semaphore, #tpu.memory_space<semaphore_mem>>)
      %add3A_252 = arith.constant 1 : i32
      %add3A_253 = arith.addi %add3A_218, %add3A_252 : i32
      %sub3A_254 = arith.constant 8 : i32
      %sub3A_255 = arith.subi %add3A_253, %sub3A_254 : i32
      %mul3A_256 = arith.constant 128 : i32
      %mul3A_257 = arith.muli %sub3A_255, %mul3A_256 : i32
      %add3A_258 = arith.addi %mul3A_2, %mul3A_257 : i32
      %dma_wait3A_259 = arith.constant 0 : i32
      %dma_wait3A_260 = tpu.memref_slice %arg4[%add3A_258, %dma_wait3A_259] : memref<819200x64xf32, #tpu.memory_space<hbm>> -> memref<128x64xf32, #tpu.memory_space<hbm>>
      %dma_wait3A_261 = arith.constant 0 : i32
      %dma_wait3A_262 = tpu.memref_slice %arg4[%add3A_258, %dma_wait3A_261] : memref<819200x64xf32, #tpu.memory_space<hbm>> -> memref<128x64xf32, #tpu.memory_space<hbm>>
      tpu.wait_dma2 semaphore(%arg23 : memref<!tpu.dma_semaphore, #tpu.memory_space<semaphore_mem>>) src(%arg7 : memref<128x64xf32, #tpu.memory_space<vmem>>) dst(%dma_wait3A_262 : memref<128x64xf32, #tpu.memory_space<hbm>>)
      %dma_start3A_263 = arith.constant 0 : i32
      %dma_start3A_264 = tpu.memref_slice %arg5[%add3A_253, %dma_start3A_263] : memref<200x128xi32, #tpu.memory_space<vmem>> -> memref<1x128xi32, #tpu.memory_space<vmem>>
      %dma_start3A_265 = tpu.memref_squeeze %dma_start3A_264 : memref<1x128xi32, #tpu.memory_space<vmem>> -> memref<128xi32, #tpu.memory_space<vmem>>
      %dma_start3A_266 = arith.constant 0 : i32
      %dma_start3A_267 = arith.constant 0 : i32
      %dma_start3A_268 = tpu.memref_slice %arg3[%dma_start3A_266, %dma_start3A_267] : memref<1000000x64xf32, #tpu.memory_space<hbm>> -> memref<1000000x64xf32, #tpu.memory_space<hbm>>
      tpu.enqueue_indirect_dma source(%dma_start3A_268 : memref<1000000x64xf32, #tpu.memory_space<hbm>>) target(%arg7 : memref<128x64xf32, #tpu.memory_space<vmem>>) offsets(%dma_start3A_265 : memref<128xi32, #tpu.memory_space<vmem>>) semaphore(%arg15 : memref<!tpu.dma_semaphore, #tpu.memory_space<semaphore_mem>>)
      %sub3A_269 = arith.constant 4 : i32
      %sub3A_270 = arith.subi %add3A_253, %sub3A_269 : i32
      %dma_wait3A_271 = arith.constant 0 : i32
      %dma_wait3A_272 = tpu.memref_slice %arg5[%sub3A_270, %dma_wait3A_271] : memref<200x128xi32, #tpu.memory_space<vmem>> -> memref<1x128xi32, #tpu.memory_space<vmem>>
      %dma_wait3A_273 = tpu.memref_squeeze %dma_wait3A_272 : memref<1x128xi32, #tpu.memory_space<vmem>> -> memref<128xi32, #tpu.memory_space<vmem>>
      %dma_wait3A_274 = arith.constant 0 : i32
      %dma_wait3A_275 = arith.constant 0 : i32
      %dma_wait3A_276 = tpu.memref_slice %arg3[%dma_wait3A_274, %dma_wait3A_275] : memref<1000000x64xf32, #tpu.memory_space<hbm>> -> memref<1000000x64xf32, #tpu.memory_space<hbm>>
      tpu.wait_indirect_dma semaphore(%arg19 : memref<!tpu.dma_semaphore, #tpu.memory_space<semaphore_mem>>) src(%dma_wait3A_276 : memref<1000000x64xf32, #tpu.memory_space<hbm>>) dst(%arg11 : memref<128x64xf32, #tpu.memory_space<vmem>>)
      %sub3A_277 = arith.constant 4 : i32
      %sub3A_278 = arith.subi %add3A_253, %sub3A_277 : i32
      %mul3A_279 = arith.constant 128 : i32
      %mul3A_280 = arith.muli %sub3A_278, %mul3A_279 : i32
      %add3A_281 = arith.addi %mul3A_2, %mul3A_280 : i32
      %dma_start3A_282 = arith.constant 0 : i32
      %dma_start3A_283 = tpu.memref_slice %arg4[%add3A_281, %dma_start3A_282] : memref<819200x64xf32, #tpu.memory_space<hbm>> -> memref<128x64xf32, #tpu.memory_space<hbm>>
      %dma_start3A_284 = arith.constant 0 : i32
      %dma_start3A_285 = tpu.memref_slice %arg4[%add3A_281, %dma_start3A_284] : memref<819200x64xf32, #tpu.memory_space<hbm>> -> memref<128x64xf32, #tpu.memory_space<hbm>>
      tpu.enqueue_dma source(%arg11 : memref<128x64xf32, #tpu.memory_space<vmem>>) target(%dma_start3A_285 : memref<128x64xf32, #tpu.memory_space<hbm>>) target_semaphore(%arg27 : memref<!tpu.dma_semaphore, #tpu.memory_space<semaphore_mem>>)
      %add3A_286 = arith.constant 2 : i32
      %add3A_287 = arith.addi %add3A_218, %add3A_286 : i32
      %sub3A_288 = arith.constant 8 : i32
      %sub3A_289 = arith.subi %add3A_287, %sub3A_288 : i32
      %mul3A_290 = arith.constant 128 : i32
      %mul3A_291 = arith.muli %sub3A_289, %mul3A_290 : i32
      %add3A_292 = arith.addi %mul3A_2, %mul3A_291 : i32
      %dma_wait3A_293 = arith.constant 0 : i32
      %dma_wait3A_294 = tpu.memref_slice %arg4[%add3A_292, %dma_wait3A_293] : memref<819200x64xf32, #tpu.memory_space<hbm>> -> memref<128x64xf32, #tpu.memory_space<hbm>>
      %dma_wait3A_295 = arith.constant 0 : i32
      %dma_wait3A_296 = tpu.memref_slice %arg4[%add3A_292, %dma_wait3A_295] : memref<819200x64xf32, #tpu.memory_space<hbm>> -> memref<128x64xf32, #tpu.memory_space<hbm>>
      tpu.wait_dma2 semaphore(%arg24 : memref<!tpu.dma_semaphore, #tpu.memory_space<semaphore_mem>>) src(%arg8 : memref<128x64xf32, #tpu.memory_space<vmem>>) dst(%dma_wait3A_296 : memref<128x64xf32, #tpu.memory_space<hbm>>)
      %dma_start3A_297 = arith.constant 0 : i32
      %dma_start3A_298 = tpu.memref_slice %arg5[%add3A_287, %dma_start3A_297] : memref<200x128xi32, #tpu.memory_space<vmem>> -> memref<1x128xi32, #tpu.memory_space<vmem>>
      %dma_start3A_299 = tpu.memref_squeeze %dma_start3A_298 : memref<1x128xi32, #tpu.memory_space<vmem>> -> memref<128xi32, #tpu.memory_space<vmem>>
      %dma_start3A_300 = arith.constant 0 : i32
      %dma_start3A_301 = arith.constant 0 : i32
      %dma_start3A_302 = tpu.memref_slice %arg3[%dma_start3A_300, %dma_start3A_301] : memref<1000000x64xf32, #tpu.memory_space<hbm>> -> memref<1000000x64xf32, #tpu.memory_space<hbm>>
      tpu.enqueue_indirect_dma source(%dma_start3A_302 : memref<1000000x64xf32, #tpu.memory_space<hbm>>) target(%arg8 : memref<128x64xf32, #tpu.memory_space<vmem>>) offsets(%dma_start3A_299 : memref<128xi32, #tpu.memory_space<vmem>>) semaphore(%arg16 : memref<!tpu.dma_semaphore, #tpu.memory_space<semaphore_mem>>)
      %sub3A_303 = arith.constant 4 : i32
      %sub3A_304 = arith.subi %add3A_287, %sub3A_303 : i32
      %dma_wait3A_305 = arith.constant 0 : i32
      %dma_wait3A_306 = tpu.memref_slice %arg5[%sub3A_304, %dma_wait3A_305] : memref<200x128xi32, #tpu.memory_space<vmem>> -> memref<1x128xi32, #tpu.memory_space<vmem>>
      %dma_wait3A_307 = tpu.memref_squeeze %dma_wait3A_306 : memref<1x128xi32, #tpu.memory_space<vmem>> -> memref<128xi32, #tpu.memory_space<vmem>>
      %dma_wait3A_308 = arith.constant 0 : i32
      %dma_wait3A_309 = arith.constant 0 : i32
      %dma_wait3A_310 = tpu.memref_slice %arg3[%dma_wait3A_308, %dma_wait3A_309] : memref<1000000x64xf32, #tpu.memory_space<hbm>> -> memref<1000000x64xf32, #tpu.memory_space<hbm>>
      tpu.wait_indirect_dma semaphore(%arg20 : memref<!tpu.dma_semaphore, #tpu.memory_space<semaphore_mem>>) src(%dma_wait3A_310 : memref<1000000x64xf32, #tpu.memory_space<hbm>>) dst(%arg12 : memref<128x64xf32, #tpu.memory_space<vmem>>)
      %sub3A_311 = arith.constant 4 : i32
      %sub3A_312 = arith.subi %add3A_287, %sub3A_311 : i32
      %mul3A_313 = arith.constant 128 : i32
      %mul3A_314 = arith.muli %sub3A_312, %mul3A_313 : i32
      %add3A_315 = arith.addi %mul3A_2, %mul3A_314 : i32
      %dma_start3A_316 = arith.constant 0 : i32
      %dma_start3A_317 = tpu.memref_slice %arg4[%add3A_315, %dma_start3A_316] : memref<819200x64xf32, #tpu.memory_space<hbm>> -> memref<128x64xf32, #tpu.memory_space<hbm>>
      %dma_start3A_318 = arith.constant 0 : i32
      %dma_start3A_319 = tpu.memref_slice %arg4[%add3A_315, %dma_start3A_318] : memref<819200x64xf32, #tpu.memory_space<hbm>> -> memref<128x64xf32, #tpu.memory_space<hbm>>
      tpu.enqueue_dma source(%arg12 : memref<128x64xf32, #tpu.memory_space<vmem>>) target(%dma_start3A_319 : memref<128x64xf32, #tpu.memory_space<hbm>>) target_semaphore(%arg28 : memref<!tpu.dma_semaphore, #tpu.memory_space<semaphore_mem>>)
      %add3A_320 = arith.constant 3 : i32
      %add3A_321 = arith.addi %add3A_218, %add3A_320 : i32
      %sub3A_322 = arith.constant 8 : i32
      %sub3A_323 = arith.subi %add3A_321, %sub3A_322 : i32
      %mul3A_324 = arith.constant 128 : i32
      %mul3A_325 = arith.muli %sub3A_323, %mul3A_324 : i32
      %add3A_326 = arith.addi %mul3A_2, %mul3A_325 : i32
      %dma_wait3A_327 = arith.constant 0 : i32
      %dma_wait3A_328 = tpu.memref_slice %arg4[%add3A_326, %dma_wait3A_327] : memref<819200x64xf32, #tpu.memory_space<hbm>> -> memref<128x64xf32, #tpu.memory_space<hbm>>
      %dma_wait3A_329 = arith.constant 0 : i32
      %dma_wait3A_330 = tpu.memref_slice %arg4[%add3A_326, %dma_wait3A_329] : memref<819200x64xf32, #tpu.memory_space<hbm>> -> memref<128x64xf32, #tpu.memory_space<hbm>>
      tpu.wait_dma2 semaphore(%arg25 : memref<!tpu.dma_semaphore, #tpu.memory_space<semaphore_mem>>) src(%arg9 : memref<128x64xf32, #tpu.memory_space<vmem>>) dst(%dma_wait3A_330 : memref<128x64xf32, #tpu.memory_space<hbm>>)
      %dma_start3A_331 = arith.constant 0 : i32
      %dma_start3A_332 = tpu.memref_slice %arg5[%add3A_321, %dma_start3A_331] : memref<200x128xi32, #tpu.memory_space<vmem>> -> memref<1x128xi32, #tpu.memory_space<vmem>>
      %dma_start3A_333 = tpu.memref_squeeze %dma_start3A_332 : memref<1x128xi32, #tpu.memory_space<vmem>> -> memref<128xi32, #tpu.memory_space<vmem>>
      %dma_start3A_334 = arith.constant 0 : i32
      %dma_start3A_335 = arith.constant 0 : i32
      %dma_start3A_336 = tpu.memref_slice %arg3[%dma_start3A_334, %dma_start3A_335] : memref<1000000x64xf32, #tpu.memory_space<hbm>> -> memref<1000000x64xf32, #tpu.memory_space<hbm>>
      tpu.enqueue_indirect_dma source(%dma_start3A_336 : memref<1000000x64xf32, #tpu.memory_space<hbm>>) target(%arg9 : memref<128x64xf32, #tpu.memory_space<vmem>>) offsets(%dma_start3A_333 : memref<128xi32, #tpu.memory_space<vmem>>) semaphore(%arg17 : memref<!tpu.dma_semaphore, #tpu.memory_space<semaphore_mem>>)
      %sub3A_337 = arith.constant 4 : i32
      %sub3A_338 = arith.subi %add3A_321, %sub3A_337 : i32
      %dma_wait3A_339 = arith.constant 0 : i32
      %dma_wait3A_340 = tpu.memref_slice %arg5[%sub3A_338, %dma_wait3A_339] : memref<200x128xi32, #tpu.memory_space<vmem>> -> memref<1x128xi32, #tpu.memory_space<vmem>>
      %dma_wait3A_341 = tpu.memref_squeeze %dma_wait3A_340 : memref<1x128xi32, #tpu.memory_space<vmem>> -> memref<128xi32, #tpu.memory_space<vmem>>
      %dma_wait3A_342 = arith.constant 0 : i32
      %dma_wait3A_343 = arith.constant 0 : i32
      %dma_wait3A_344 = tpu.memref_slice %arg3[%dma_wait3A_342, %dma_wait3A_343] : memref<1000000x64xf32, #tpu.memory_space<hbm>> -> memref<1000000x64xf32, #tpu.memory_space<hbm>>
      tpu.wait_indirect_dma semaphore(%arg21 : memref<!tpu.dma_semaphore, #tpu.memory_space<semaphore_mem>>) src(%dma_wait3A_344 : memref<1000000x64xf32, #tpu.memory_space<hbm>>) dst(%arg13 : memref<128x64xf32, #tpu.memory_space<vmem>>)
      %sub3A_345 = arith.constant 4 : i32
      %sub3A_346 = arith.subi %add3A_321, %sub3A_345 : i32
      %mul3A_347 = arith.constant 128 : i32
      %mul3A_348 = arith.muli %sub3A_346, %mul3A_347 : i32
      %add3A_349 = arith.addi %mul3A_2, %mul3A_348 : i32
      %dma_start3A_350 = arith.constant 0 : i32
      %dma_start3A_351 = tpu.memref_slice %arg4[%add3A_349, %dma_start3A_350] : memref<819200x64xf32, #tpu.memory_space<hbm>> -> memref<128x64xf32, #tpu.memory_space<hbm>>
      %dma_start3A_352 = arith.constant 0 : i32
      %dma_start3A_353 = tpu.memref_slice %arg4[%add3A_349, %dma_start3A_352] : memref<819200x64xf32, #tpu.memory_space<hbm>> -> memref<128x64xf32, #tpu.memory_space<hbm>>
      tpu.enqueue_dma source(%arg13 : memref<128x64xf32, #tpu.memory_space<vmem>>) target(%dma_start3A_353 : memref<128x64xf32, #tpu.memory_space<hbm>>) target_semaphore(%arg29 : memref<!tpu.dma_semaphore, #tpu.memory_space<semaphore_mem>>)
      %add3A_354 = arith.constant 4 : i32
      %add3A_355 = arith.addi %add3A_218, %add3A_354 : i32
      %sub3A_356 = arith.constant 8 : i32
      %sub3A_357 = arith.subi %add3A_355, %sub3A_356 : i32
      %mul3A_358 = arith.constant 128 : i32
      %mul3A_359 = arith.muli %sub3A_357, %mul3A_358 : i32
      %add3A_360 = arith.addi %mul3A_2, %mul3A_359 : i32
      %dma_wait3A_361 = arith.constant 0 : i32
      %dma_wait3A_362 = tpu.memref_slice %arg4[%add3A_360, %dma_wait3A_361] : memref<819200x64xf32, #tpu.memory_space<hbm>> -> memref<128x64xf32, #tpu.memory_space<hbm>>
      %dma_wait3A_363 = arith.constant 0 : i32
      %dma_wait3A_364 = tpu.memref_slice %arg4[%add3A_360, %dma_wait3A_363] : memref<819200x64xf32, #tpu.memory_space<hbm>> -> memref<128x64xf32, #tpu.memory_space<hbm>>
      tpu.wait_dma2 semaphore(%arg26 : memref<!tpu.dma_semaphore, #tpu.memory_space<semaphore_mem>>) src(%arg10 : memref<128x64xf32, #tpu.memory_space<vmem>>) dst(%dma_wait3A_364 : memref<128x64xf32, #tpu.memory_space<hbm>>)
      %dma_start3A_365 = arith.constant 0 : i32
      %dma_start3A_366 = tpu.memref_slice %arg5[%add3A_355, %dma_start3A_365] : memref<200x128xi32, #tpu.memory_space<vmem>> -> memref<1x128xi32, #tpu.memory_space<vmem>>
      %dma_start3A_367 = tpu.memref_squeeze %dma_start3A_366 : memref<1x128xi32, #tpu.memory_space<vmem>> -> memref<128xi32, #tpu.memory_space<vmem>>
      %dma_start3A_368 = arith.constant 0 : i32
      %dma_start3A_369 = arith.constant 0 : i32
      %dma_start3A_370 = tpu.memref_slice %arg3[%dma_start3A_368, %dma_start3A_369] : memref<1000000x64xf32, #tpu.memory_space<hbm>> -> memref<1000000x64xf32, #tpu.memory_space<hbm>>
      tpu.enqueue_indirect_dma source(%dma_start3A_370 : memref<1000000x64xf32, #tpu.memory_space<hbm>>) target(%arg10 : memref<128x64xf32, #tpu.memory_space<vmem>>) offsets(%dma_start3A_367 : memref<128xi32, #tpu.memory_space<vmem>>) semaphore(%arg18 : memref<!tpu.dma_semaphore, #tpu.memory_space<semaphore_mem>>)
      %sub3A_371 = arith.constant 4 : i32
      %sub3A_372 = arith.subi %add3A_355, %sub3A_371 : i32
      %dma_wait3A_373 = arith.constant 0 : i32
      %dma_wait3A_374 = tpu.memref_slice %arg5[%sub3A_372, %dma_wait3A_373] : memref<200x128xi32, #tpu.memory_space<vmem>> -> memref<1x128xi32, #tpu.memory_space<vmem>>
      %dma_wait3A_375 = tpu.memref_squeeze %dma_wait3A_374 : memref<1x128xi32, #tpu.memory_space<vmem>> -> memref<128xi32, #tpu.memory_space<vmem>>
      %dma_wait3A_376 = arith.constant 0 : i32
      %dma_wait3A_377 = arith.constant 0 : i32
      %dma_wait3A_378 = tpu.memref_slice %arg3[%dma_wait3A_376, %dma_wait3A_377] : memref<1000000x64xf32, #tpu.memory_space<hbm>> -> memref<1000000x64xf32, #tpu.memory_space<hbm>>
      tpu.wait_indirect_dma semaphore(%arg14 : memref<!tpu.dma_semaphore, #tpu.memory_space<semaphore_mem>>) src(%dma_wait3A_378 : memref<1000000x64xf32, #tpu.memory_space<hbm>>) dst(%arg6 : memref<128x64xf32, #tpu.memory_space<vmem>>)
      %sub3A_379 = arith.constant 4 : i32
      %sub3A_380 = arith.subi %add3A_355, %sub3A_379 : i32
      %mul3A_381 = arith.constant 128 : i32
      %mul3A_382 = arith.muli %sub3A_380, %mul3A_381 : i32
      %add3A_383 = arith.addi %mul3A_2, %mul3A_382 : i32
      %dma_start3A_384 = arith.constant 0 : i32
      %dma_start3A_385 = tpu.memref_slice %arg4[%add3A_383, %dma_start3A_384] : memref<819200x64xf32, #tpu.memory_space<hbm>> -> memref<128x64xf32, #tpu.memory_space<hbm>>
      %dma_start3A_386 = arith.constant 0 : i32
      %dma_start3A_387 = tpu.memref_slice %arg4[%add3A_383, %dma_start3A_386] : memref<819200x64xf32, #tpu.memory_space<hbm>> -> memref<128x64xf32, #tpu.memory_space<hbm>>
      tpu.enqueue_dma source(%arg6 : memref<128x64xf32, #tpu.memory_space<vmem>>) target(%dma_start3A_387 : memref<128x64xf32, #tpu.memory_space<hbm>>) target_semaphore(%arg22 : memref<!tpu.dma_semaphore, #tpu.memory_space<semaphore_mem>>)
      %add3A_388 = arith.constant 5 : i32
      %add3A_389 = arith.addi %add3A_218, %add3A_388 : i32
      %sub3A_390 = arith.constant 8 : i32
      %sub3A_391 = arith.subi %add3A_389, %sub3A_390 : i32
      %mul3A_392 = arith.constant 128 : i32
      %mul3A_393 = arith.muli %sub3A_391, %mul3A_392 : i32
      %add3A_394 = arith.addi %mul3A_2, %mul3A_393 : i32
      %dma_wait3A_395 = arith.constant 0 : i32
      %dma_wait3A_396 = tpu.memref_slice %arg4[%add3A_394, %dma_wait3A_395] : memref<819200x64xf32, #tpu.memory_space<hbm>> -> memref<128x64xf32, #tpu.memory_space<hbm>>
      %dma_wait3A_397 = arith.constant 0 : i32
      %dma_wait3A_398 = tpu.memref_slice %arg4[%add3A_394, %dma_wait3A_397] : memref<819200x64xf32, #tpu.memory_space<hbm>> -> memref<128x64xf32, #tpu.memory_space<hbm>>
      tpu.wait_dma2 semaphore(%arg27 : memref<!tpu.dma_semaphore, #tpu.memory_space<semaphore_mem>>) src(%arg11 : memref<128x64xf32, #tpu.memory_space<vmem>>) dst(%dma_wait3A_398 : memref<128x64xf32, #tpu.memory_space<hbm>>)
      %dma_start3A_399 = arith.constant 0 : i32
      %dma_start3A_400 = tpu.memref_slice %arg5[%add3A_389, %dma_start3A_399] : memref<200x128xi32, #tpu.memory_space<vmem>> -> memref<1x128xi32, #tpu.memory_space<vmem>>
      %dma_start3A_401 = tpu.memref_squeeze %dma_start3A_400 : memref<1x128xi32, #tpu.memory_space<vmem>> -> memref<128xi32, #tpu.memory_space<vmem>>
      %dma_start3A_402 = arith.constant 0 : i32
      %dma_start3A_403 = arith.constant 0 : i32
      %dma_start3A_404 = tpu.memref_slice %arg3[%dma_start3A_402, %dma_start3A_403] : memref<1000000x64xf32, #tpu.memory_space<hbm>> -> memref<1000000x64xf32, #tpu.memory_space<hbm>>
      tpu.enqueue_indirect_dma source(%dma_start3A_404 : memref<1000000x64xf32, #tpu.memory_space<hbm>>) target(%arg11 : memref<128x64xf32, #tpu.memory_space<vmem>>) offsets(%dma_start3A_401 : memref<128xi32, #tpu.memory_space<vmem>>) semaphore(%arg19 : memref<!tpu.dma_semaphore, #tpu.memory_space<semaphore_mem>>)
      %sub3A_405 = arith.constant 4 : i32
      %sub3A_406 = arith.subi %add3A_389, %sub3A_405 : i32
      %dma_wait3A_407 = arith.constant 0 : i32
      %dma_wait3A_408 = tpu.memref_slice %arg5[%sub3A_406, %dma_wait3A_407] : memref<200x128xi32, #tpu.memory_space<vmem>> -> memref<1x128xi32, #tpu.memory_space<vmem>>
      %dma_wait3A_409 = tpu.memref_squeeze %dma_wait3A_408 : memref<1x128xi32, #tpu.memory_space<vmem>> -> memref<128xi32, #tpu.memory_space<vmem>>
      %dma_wait3A_410 = arith.constant 0 : i32
      %dma_wait3A_411 = arith.constant 0 : i32
      %dma_wait3A_412 = tpu.memref_slice %arg3[%dma_wait3A_410, %dma_wait3A_411] : memref<1000000x64xf32, #tpu.memory_space<hbm>> -> memref<1000000x64xf32, #tpu.memory_space<hbm>>
      tpu.wait_indirect_dma semaphore(%arg15 : memref<!tpu.dma_semaphore, #tpu.memory_space<semaphore_mem>>) src(%dma_wait3A_412 : memref<1000000x64xf32, #tpu.memory_space<hbm>>) dst(%arg7 : memref<128x64xf32, #tpu.memory_space<vmem>>)
      %sub3A_413 = arith.constant 4 : i32
      %sub3A_414 = arith.subi %add3A_389, %sub3A_413 : i32
      %mul3A_415 = arith.constant 128 : i32
      %mul3A_416 = arith.muli %sub3A_414, %mul3A_415 : i32
      %add3A_417 = arith.addi %mul3A_2, %mul3A_416 : i32
      %dma_start3A_418 = arith.constant 0 : i32
      %dma_start3A_419 = tpu.memref_slice %arg4[%add3A_417, %dma_start3A_418] : memref<819200x64xf32, #tpu.memory_space<hbm>> -> memref<128x64xf32, #tpu.memory_space<hbm>>
      %dma_start3A_420 = arith.constant 0 : i32
      %dma_start3A_421 = tpu.memref_slice %arg4[%add3A_417, %dma_start3A_420] : memref<819200x64xf32, #tpu.memory_space<hbm>> -> memref<128x64xf32, #tpu.memory_space<hbm>>
      tpu.enqueue_dma source(%arg7 : memref<128x64xf32, #tpu.memory_space<vmem>>) target(%dma_start3A_421 : memref<128x64xf32, #tpu.memory_space<hbm>>) target_semaphore(%arg23 : memref<!tpu.dma_semaphore, #tpu.memory_space<semaphore_mem>>)
      %add3A_422 = arith.constant 6 : i32
      %add3A_423 = arith.addi %add3A_218, %add3A_422 : i32
      %sub3A_424 = arith.constant 8 : i32
      %sub3A_425 = arith.subi %add3A_423, %sub3A_424 : i32
      %mul3A_426 = arith.constant 128 : i32
      %mul3A_427 = arith.muli %sub3A_425, %mul3A_426 : i32
      %add3A_428 = arith.addi %mul3A_2, %mul3A_427 : i32
      %dma_wait3A_429 = arith.constant 0 : i32
      %dma_wait3A_430 = tpu.memref_slice %arg4[%add3A_428, %dma_wait3A_429] : memref<819200x64xf32, #tpu.memory_space<hbm>> -> memref<128x64xf32, #tpu.memory_space<hbm>>
      %dma_wait3A_431 = arith.constant 0 : i32
      %dma_wait3A_432 = tpu.memref_slice %arg4[%add3A_428, %dma_wait3A_431] : memref<819200x64xf32, #tpu.memory_space<hbm>> -> memref<128x64xf32, #tpu.memory_space<hbm>>
      tpu.wait_dma2 semaphore(%arg28 : memref<!tpu.dma_semaphore, #tpu.memory_space<semaphore_mem>>) src(%arg12 : memref<128x64xf32, #tpu.memory_space<vmem>>) dst(%dma_wait3A_432 : memref<128x64xf32, #tpu.memory_space<hbm>>)
      %dma_start3A_433 = arith.constant 0 : i32
      %dma_start3A_434 = tpu.memref_slice %arg5[%add3A_423, %dma_start3A_433] : memref<200x128xi32, #tpu.memory_space<vmem>> -> memref<1x128xi32, #tpu.memory_space<vmem>>
      %dma_start3A_435 = tpu.memref_squeeze %dma_start3A_434 : memref<1x128xi32, #tpu.memory_space<vmem>> -> memref<128xi32, #tpu.memory_space<vmem>>
      %dma_start3A_436 = arith.constant 0 : i32
      %dma_start3A_437 = arith.constant 0 : i32
      %dma_start3A_438 = tpu.memref_slice %arg3[%dma_start3A_436, %dma_start3A_437] : memref<1000000x64xf32, #tpu.memory_space<hbm>> -> memref<1000000x64xf32, #tpu.memory_space<hbm>>
      tpu.enqueue_indirect_dma source(%dma_start3A_438 : memref<1000000x64xf32, #tpu.memory_space<hbm>>) target(%arg12 : memref<128x64xf32, #tpu.memory_space<vmem>>) offsets(%dma_start3A_435 : memref<128xi32, #tpu.memory_space<vmem>>) semaphore(%arg20 : memref<!tpu.dma_semaphore, #tpu.memory_space<semaphore_mem>>)
      %sub3A_439 = arith.constant 4 : i32
      %sub3A_440 = arith.subi %add3A_423, %sub3A_439 : i32
      %dma_wait3A_441 = arith.constant 0 : i32
      %dma_wait3A_442 = tpu.memref_slice %arg5[%sub3A_440, %dma_wait3A_441] : memref<200x128xi32, #tpu.memory_space<vmem>> -> memref<1x128xi32, #tpu.memory_space<vmem>>
      %dma_wait3A_443 = tpu.memref_squeeze %dma_wait3A_442 : memref<1x128xi32, #tpu.memory_space<vmem>> -> memref<128xi32, #tpu.memory_space<vmem>>
      %dma_wait3A_444 = arith.constant 0 : i32
      %dma_wait3A_445 = arith.constant 0 : i32
      %dma_wait3A_446 = tpu.memref_slice %arg3[%dma_wait3A_444, %dma_wait3A_445] : memref<1000000x64xf32, #tpu.memory_space<hbm>> -> memref<1000000x64xf32, #tpu.memory_space<hbm>>
      tpu.wait_indirect_dma semaphore(%arg16 : memref<!tpu.dma_semaphore, #tpu.memory_space<semaphore_mem>>) src(%dma_wait3A_446 : memref<1000000x64xf32, #tpu.memory_space<hbm>>) dst(%arg8 : memref<128x64xf32, #tpu.memory_space<vmem>>)
      %sub3A_447 = arith.constant 4 : i32
      %sub3A_448 = arith.subi %add3A_423, %sub3A_447 : i32
      %mul3A_449 = arith.constant 128 : i32
      %mul3A_450 = arith.muli %sub3A_448, %mul3A_449 : i32
      %add3A_451 = arith.addi %mul3A_2, %mul3A_450 : i32
      %dma_start3A_452 = arith.constant 0 : i32
      %dma_start3A_453 = tpu.memref_slice %arg4[%add3A_451, %dma_start3A_452] : memref<819200x64xf32, #tpu.memory_space<hbm>> -> memref<128x64xf32, #tpu.memory_space<hbm>>
      %dma_start3A_454 = arith.constant 0 : i32
      %dma_start3A_455 = tpu.memref_slice %arg4[%add3A_451, %dma_start3A_454] : memref<819200x64xf32, #tpu.memory_space<hbm>> -> memref<128x64xf32, #tpu.memory_space<hbm>>
      tpu.enqueue_dma source(%arg8 : memref<128x64xf32, #tpu.memory_space<vmem>>) target(%dma_start3A_455 : memref<128x64xf32, #tpu.memory_space<hbm>>) target_semaphore(%arg24 : memref<!tpu.dma_semaphore, #tpu.memory_space<semaphore_mem>>)
      %add3A_456 = arith.constant 7 : i32
      %add3A_457 = arith.addi %add3A_218, %add3A_456 : i32
      %sub3A_458 = arith.constant 8 : i32
      %sub3A_459 = arith.subi %add3A_457, %sub3A_458 : i32
      %mul3A_460 = arith.constant 128 : i32
      %mul3A_461 = arith.muli %sub3A_459, %mul3A_460 : i32
      %add3A_462 = arith.addi %mul3A_2, %mul3A_461 : i32
      %dma_wait3A_463 = arith.constant 0 : i32
      %dma_wait3A_464 = tpu.memref_slice %arg4[%add3A_462, %dma_wait3A_463] : memref<819200x64xf32, #tpu.memory_space<hbm>> -> memref<128x64xf32, #tpu.memory_space<hbm>>
      %dma_wait3A_465 = arith.constant 0 : i32
      %dma_wait3A_466 = tpu.memref_slice %arg4[%add3A_462, %dma_wait3A_465] : memref<819200x64xf32, #tpu.memory_space<hbm>> -> memref<128x64xf32, #tpu.memory_space<hbm>>
      tpu.wait_dma2 semaphore(%arg29 : memref<!tpu.dma_semaphore, #tpu.memory_space<semaphore_mem>>) src(%arg13 : memref<128x64xf32, #tpu.memory_space<vmem>>) dst(%dma_wait3A_466 : memref<128x64xf32, #tpu.memory_space<hbm>>)
      %dma_start3A_467 = arith.constant 0 : i32
      %dma_start3A_468 = tpu.memref_slice %arg5[%add3A_457, %dma_start3A_467] : memref<200x128xi32, #tpu.memory_space<vmem>> -> memref<1x128xi32, #tpu.memory_space<vmem>>
      %dma_start3A_469 = tpu.memref_squeeze %dma_start3A_468 : memref<1x128xi32, #tpu.memory_space<vmem>> -> memref<128xi32, #tpu.memory_space<vmem>>
      %dma_start3A_470 = arith.constant 0 : i32
      %dma_start3A_471 = arith.constant 0 : i32
      %dma_start3A_472 = tpu.memref_slice %arg3[%dma_start3A_470, %dma_start3A_471] : memref<1000000x64xf32, #tpu.memory_space<hbm>> -> memref<1000000x64xf32, #tpu.memory_space<hbm>>
      tpu.enqueue_indirect_dma source(%dma_start3A_472 : memref<1000000x64xf32, #tpu.memory_space<hbm>>) target(%arg13 : memref<128x64xf32, #tpu.memory_space<vmem>>) offsets(%dma_start3A_469 : memref<128xi32, #tpu.memory_space<vmem>>) semaphore(%arg21 : memref<!tpu.dma_semaphore, #tpu.memory_space<semaphore_mem>>)
      %sub3A_473 = arith.constant 4 : i32
      %sub3A_474 = arith.subi %add3A_457, %sub3A_473 : i32
      %dma_wait3A_475 = arith.constant 0 : i32
      %dma_wait3A_476 = tpu.memref_slice %arg5[%sub3A_474, %dma_wait3A_475] : memref<200x128xi32, #tpu.memory_space<vmem>> -> memref<1x128xi32, #tpu.memory_space<vmem>>
      %dma_wait3A_477 = tpu.memref_squeeze %dma_wait3A_476 : memref<1x128xi32, #tpu.memory_space<vmem>> -> memref<128xi32, #tpu.memory_space<vmem>>
      %dma_wait3A_478 = arith.constant 0 : i32
      %dma_wait3A_479 = arith.constant 0 : i32
      %dma_wait3A_480 = tpu.memref_slice %arg3[%dma_wait3A_478, %dma_wait3A_479] : memref<1000000x64xf32, #tpu.memory_space<hbm>> -> memref<1000000x64xf32, #tpu.memory_space<hbm>>
      tpu.wait_indirect_dma semaphore(%arg17 : memref<!tpu.dma_semaphore, #tpu.memory_space<semaphore_mem>>) src(%dma_wait3A_480 : memref<1000000x64xf32, #tpu.memory_space<hbm>>) dst(%arg9 : memref<128x64xf32, #tpu.memory_space<vmem>>)
      %sub3A_481 = arith.constant 4 : i32
      %sub3A_482 = arith.subi %add3A_457, %sub3A_481 : i32
      %mul3A_483 = arith.constant 128 : i32
      %mul3A_484 = arith.muli %sub3A_482, %mul3A_483 : i32
      %add3A_485 = arith.addi %mul3A_2, %mul3A_484 : i32
      %dma_start3A_486 = arith.constant 0 : i32
      %dma_start3A_487 = tpu.memref_slice %arg4[%add3A_485, %dma_start3A_486] : memref<819200x64xf32, #tpu.memory_space<hbm>> -> memref<128x64xf32, #tpu.memory_space<hbm>>
      %dma_start3A_488 = arith.constant 0 : i32
      %dma_start3A_489 = tpu.memref_slice %arg4[%add3A_485, %dma_start3A_488] : memref<819200x64xf32, #tpu.memory_space<hbm>> -> memref<128x64xf32, #tpu.memory_space<hbm>>
      tpu.enqueue_dma source(%arg9 : memref<128x64xf32, #tpu.memory_space<vmem>>) target(%dma_start3A_489 : memref<128x64xf32, #tpu.memory_space<hbm>>) target_semaphore(%arg25 : memref<!tpu.dma_semaphore, #tpu.memory_space<semaphore_mem>>)
    }
    %scan3A_113 = arith.constant 24 : i32
    %dma_wait3A_114 = arith.constant 196 : i32
    %dma_wait3A_115 = arith.constant 0 : i32
    %dma_wait3A_116 = tpu.memref_slice %arg5[%dma_wait3A_114, %dma_wait3A_115] : memref<200x128xi32, #tpu.memory_space<vmem>> -> memref<1x128xi32, #tpu.memory_space<vmem>>
    %dma_wait3A_117 = tpu.memref_squeeze %dma_wait3A_116 : memref<1x128xi32, #tpu.memory_space<vmem>> -> memref<128xi32, #tpu.memory_space<vmem>>
    %dma_wait3A_118 = arith.constant 0 : i32
    %dma_wait3A_119 = arith.constant 0 : i32
    %dma_wait3A_120 = tpu.memref_slice %arg3[%dma_wait3A_118, %dma_wait3A_119] : memref<1000000x64xf32, #tpu.memory_space<hbm>> -> memref<1000000x64xf32, #tpu.memory_space<hbm>>
    tpu.wait_indirect_dma semaphore(%arg18 : memref<!tpu.dma_semaphore, #tpu.memory_space<semaphore_mem>>) src(%dma_wait3A_120 : memref<1000000x64xf32, #tpu.memory_space<hbm>>) dst(%arg10 : memref<128x64xf32, #tpu.memory_space<vmem>>)
    %add3A_121 = arith.constant 25088 : i32
    %add3A_122 = arith.addi %mul3A_2, %add3A_121 : i32
    %dma_start3A_123 = arith.constant 0 : i32
    %dma_start3A_124 = tpu.memref_slice %arg4[%add3A_122, %dma_start3A_123] : memref<819200x64xf32, #tpu.memory_space<hbm>> -> memref<128x64xf32, #tpu.memory_space<hbm>>
    %dma_start3A_125 = arith.constant 0 : i32
    %dma_start3A_126 = tpu.memref_slice %arg4[%add3A_122, %dma_start3A_125] : memref<819200x64xf32, #tpu.memory_space<hbm>> -> memref<128x64xf32, #tpu.memory_space<hbm>>
    tpu.enqueue_dma source(%arg10 : memref<128x64xf32, #tpu.memory_space<vmem>>) target(%dma_start3A_126 : memref<128x64xf32, #tpu.memory_space<hbm>>) target_semaphore(%arg26 : memref<!tpu.dma_semaphore, #tpu.memory_space<semaphore_mem>>)
    %dma_wait3A_127 = arith.constant 197 : i32
    %dma_wait3A_128 = arith.constant 0 : i32
    %dma_wait3A_129 = tpu.memref_slice %arg5[%dma_wait3A_127, %dma_wait3A_128] : memref<200x128xi32, #tpu.memory_space<vmem>> -> memref<1x128xi32, #tpu.memory_space<vmem>>
    %dma_wait3A_130 = tpu.memref_squeeze %dma_wait3A_129 : memref<1x128xi32, #tpu.memory_space<vmem>> -> memref<128xi32, #tpu.memory_space<vmem>>
    %dma_wait3A_131 = arith.constant 0 : i32
    %dma_wait3A_132 = arith.constant 0 : i32
    %dma_wait3A_133 = tpu.memref_slice %arg3[%dma_wait3A_131, %dma_wait3A_132] : memref<1000000x64xf32, #tpu.memory_space<hbm>> -> memref<1000000x64xf32, #tpu.memory_space<hbm>>
    tpu.wait_indirect_dma semaphore(%arg19 : memref<!tpu.dma_semaphore, #tpu.memory_space<semaphore_mem>>) src(%dma_wait3A_133 : memref<1000000x64xf32, #tpu.memory_space<hbm>>) dst(%arg11 : memref<128x64xf32, #tpu.memory_space<vmem>>)
    %add3A_134 = arith.constant 25216 : i32
    %add3A_135 = arith.addi %mul3A_2, %add3A_134 : i32
    %dma_start3A_136 = arith.constant 0 : i32
    %dma_start3A_137 = tpu.memref_slice %arg4[%add3A_135, %dma_start3A_136] : memref<819200x64xf32, #tpu.memory_space<hbm>> -> memref<128x64xf32, #tpu.memory_space<hbm>>
    %dma_start3A_138 = arith.constant 0 : i32
    %dma_start3A_139 = tpu.memref_slice %arg4[%add3A_135, %dma_start3A_138] : memref<819200x64xf32, #tpu.memory_space<hbm>> -> memref<128x64xf32, #tpu.memory_space<hbm>>
    tpu.enqueue_dma source(%arg11 : memref<128x64xf32, #tpu.memory_space<vmem>>) target(%dma_start3A_139 : memref<128x64xf32, #tpu.memory_space<hbm>>) target_semaphore(%arg27 : memref<!tpu.dma_semaphore, #tpu.memory_space<semaphore_mem>>)
    %dma_wait3A_140 = arith.constant 198 : i32
    %dma_wait3A_141 = arith.constant 0 : i32
    %dma_wait3A_142 = tpu.memref_slice %arg5[%dma_wait3A_140, %dma_wait3A_141] : memref<200x128xi32, #tpu.memory_space<vmem>> -> memref<1x128xi32, #tpu.memory_space<vmem>>
    %dma_wait3A_143 = tpu.memref_squeeze %dma_wait3A_142 : memref<1x128xi32, #tpu.memory_space<vmem>> -> memref<128xi32, #tpu.memory_space<vmem>>
    %dma_wait3A_144 = arith.constant 0 : i32
    %dma_wait3A_145 = arith.constant 0 : i32
    %dma_wait3A_146 = tpu.memref_slice %arg3[%dma_wait3A_144, %dma_wait3A_145] : memref<1000000x64xf32, #tpu.memory_space<hbm>> -> memref<1000000x64xf32, #tpu.memory_space<hbm>>
    tpu.wait_indirect_dma semaphore(%arg20 : memref<!tpu.dma_semaphore, #tpu.memory_space<semaphore_mem>>) src(%dma_wait3A_146 : memref<1000000x64xf32, #tpu.memory_space<hbm>>) dst(%arg12 : memref<128x64xf32, #tpu.memory_space<vmem>>)
    %add3A_147 = arith.constant 25344 : i32
    %add3A_148 = arith.addi %mul3A_2, %add3A_147 : i32
    %dma_start3A_149 = arith.constant 0 : i32
    %dma_start3A_150 = tpu.memref_slice %arg4[%add3A_148, %dma_start3A_149] : memref<819200x64xf32, #tpu.memory_space<hbm>> -> memref<128x64xf32, #tpu.memory_space<hbm>>
    %dma_start3A_151 = arith.constant 0 : i32
    %dma_start3A_152 = tpu.memref_slice %arg4[%add3A_148, %dma_start3A_151] : memref<819200x64xf32, #tpu.memory_space<hbm>> -> memref<128x64xf32, #tpu.memory_space<hbm>>
    tpu.enqueue_dma source(%arg12 : memref<128x64xf32, #tpu.memory_space<vmem>>) target(%dma_start3A_152 : memref<128x64xf32, #tpu.memory_space<hbm>>) target_semaphore(%arg28 : memref<!tpu.dma_semaphore, #tpu.memory_space<semaphore_mem>>)
    %dma_wait3A_153 = arith.constant 199 : i32
    %dma_wait3A_154 = arith.constant 0 : i32
    %dma_wait3A_155 = tpu.memref_slice %arg5[%dma_wait3A_153, %dma_wait3A_154] : memref<200x128xi32, #tpu.memory_space<vmem>> -> memref<1x128xi32, #tpu.memory_space<vmem>>
    %dma_wait3A_156 = tpu.memref_squeeze %dma_wait3A_155 : memref<1x128xi32, #tpu.memory_space<vmem>> -> memref<128xi32, #tpu.memory_space<vmem>>
    %dma_wait3A_157 = arith.constant 0 : i32
    %dma_wait3A_158 = arith.constant 0 : i32
    %dma_wait3A_159 = tpu.memref_slice %arg3[%dma_wait3A_157, %dma_wait3A_158] : memref<1000000x64xf32, #tpu.memory_space<hbm>> -> memref<1000000x64xf32, #tpu.memory_space<hbm>>
    tpu.wait_indirect_dma semaphore(%arg21 : memref<!tpu.dma_semaphore, #tpu.memory_space<semaphore_mem>>) src(%dma_wait3A_159 : memref<1000000x64xf32, #tpu.memory_space<hbm>>) dst(%arg13 : memref<128x64xf32, #tpu.memory_space<vmem>>)
    %add3A_160 = arith.constant 25472 : i32
    %add3A_161 = arith.addi %mul3A_2, %add3A_160 : i32
    %dma_start3A_162 = arith.constant 0 : i32
    %dma_start3A_163 = tpu.memref_slice %arg4[%add3A_161, %dma_start3A_162] : memref<819200x64xf32, #tpu.memory_space<hbm>> -> memref<128x64xf32, #tpu.memory_space<hbm>>
    %dma_start3A_164 = arith.constant 0 : i32
    %dma_start3A_165 = tpu.memref_slice %arg4[%add3A_161, %dma_start3A_164] : memref<819200x64xf32, #tpu.memory_space<hbm>> -> memref<128x64xf32, #tpu.memory_space<hbm>>
    tpu.enqueue_dma source(%arg13 : memref<128x64xf32, #tpu.memory_space<vmem>>) target(%dma_start3A_165 : memref<128x64xf32, #tpu.memory_space<hbm>>) target_semaphore(%arg29 : memref<!tpu.dma_semaphore, #tpu.memory_space<semaphore_mem>>)
    %add3A_166 = arith.constant 24576 : i32
    %add3A_167 = arith.addi %mul3A_2, %add3A_166 : i32
    %dma_wait3A_168 = arith.constant 0 : i32
    %dma_wait3A_169 = tpu.memref_slice %arg4[%add3A_167, %dma_wait3A_168] : memref<819200x64xf32, #tpu.memory_space<hbm>> -> memref<128x64xf32, #tpu.memory_space<hbm>>
    %dma_wait3A_170 = arith.constant 0 : i32
    %dma_wait3A_171 = tpu.memref_slice %arg4[%add3A_167, %dma_wait3A_170] : memref<819200x64xf32, #tpu.memory_space<hbm>> -> memref<128x64xf32, #tpu.memory_space<hbm>>
    tpu.wait_dma2 semaphore(%arg22 : memref<!tpu.dma_semaphore, #tpu.memory_space<semaphore_mem>>) src(%arg6 : memref<128x64xf32, #tpu.memory_space<vmem>>) dst(%dma_wait3A_171 : memref<128x64xf32, #tpu.memory_space<hbm>>)
    %add3A_172 = arith.constant 24704 : i32
    %add3A_173 = arith.addi %mul3A_2, %add3A_172 : i32
    %dma_wait3A_174 = arith.constant 0 : i32
    %dma_wait3A_175 = tpu.memref_slice %arg4[%add3A_173, %dma_wait3A_174] : memref<819200x64xf32, #tpu.memory_space<hbm>> -> memref<128x64xf32, #tpu.memory_space<hbm>>
    %dma_wait3A_176 = arith.constant 0 : i32
    %dma_wait3A_177 = tpu.memref_slice %arg4[%add3A_173, %dma_wait3A_176] : memref<819200x64xf32, #tpu.memory_space<hbm>> -> memref<128x64xf32, #tpu.memory_space<hbm>>
    tpu.wait_dma2 semaphore(%arg23 : memref<!tpu.dma_semaphore, #tpu.memory_space<semaphore_mem>>) src(%arg7 : memref<128x64xf32, #tpu.memory_space<vmem>>) dst(%dma_wait3A_177 : memref<128x64xf32, #tpu.memory_space<hbm>>)
    %add3A_178 = arith.constant 24832 : i32
    %add3A_179 = arith.addi %mul3A_2, %add3A_178 : i32
    %dma_wait3A_180 = arith.constant 0 : i32
    %dma_wait3A_181 = tpu.memref_slice %arg4[%add3A_179, %dma_wait3A_180] : memref<819200x64xf32, #tpu.memory_space<hbm>> -> memref<128x64xf32, #tpu.memory_space<hbm>>
    %dma_wait3A_182 = arith.constant 0 : i32
    %dma_wait3A_183 = tpu.memref_slice %arg4[%add3A_179, %dma_wait3A_182] : memref<819200x64xf32, #tpu.memory_space<hbm>> -> memref<128x64xf32, #tpu.memory_space<hbm>>
    tpu.wait_dma2 semaphore(%arg24 : memref<!tpu.dma_semaphore, #tpu.memory_space<semaphore_mem>>) src(%arg8 : memref<128x64xf32, #tpu.memory_space<vmem>>) dst(%dma_wait3A_183 : memref<128x64xf32, #tpu.memory_space<hbm>>)
    %add3A_184 = arith.constant 24960 : i32
    %add3A_185 = arith.addi %mul3A_2, %add3A_184 : i32
    %dma_wait3A_186 = arith.constant 0 : i32
    %dma_wait3A_187 = tpu.memref_slice %arg4[%add3A_185, %dma_wait3A_186] : memref<819200x64xf32, #tpu.memory_space<hbm>> -> memref<128x64xf32, #tpu.memory_space<hbm>>
    %dma_wait3A_188 = arith.constant 0 : i32
    %dma_wait3A_189 = tpu.memref_slice %arg4[%add3A_185, %dma_wait3A_188] : memref<819200x64xf32, #tpu.memory_space<hbm>> -> memref<128x64xf32, #tpu.memory_space<hbm>>
    tpu.wait_dma2 semaphore(%arg25 : memref<!tpu.dma_semaphore, #tpu.memory_space<semaphore_mem>>) src(%arg9 : memref<128x64xf32, #tpu.memory_space<vmem>>) dst(%dma_wait3A_189 : memref<128x64xf32, #tpu.memory_space<hbm>>)
    %add3A_190 = arith.constant 25088 : i32
    %add3A_191 = arith.addi %mul3A_2, %add3A_190 : i32
    %dma_wait3A_192 = arith.constant 0 : i32
    %dma_wait3A_193 = tpu.memref_slice %arg4[%add3A_191, %dma_wait3A_192] : memref<819200x64xf32, #tpu.memory_space<hbm>> -> memref<128x64xf32, #tpu.memory_space<hbm>>
    %dma_wait3A_194 = arith.constant 0 : i32
    %dma_wait3A_195 = tpu.memref_slice %arg4[%add3A_191, %dma_wait3A_194] : memref<819200x64xf32, #tpu.memory_space<hbm>> -> memref<128x64xf32, #tpu.memory_space<hbm>>
    tpu.wait_dma2 semaphore(%arg26 : memref<!tpu.dma_semaphore, #tpu.memory_space<semaphore_mem>>) src(%arg10 : memref<128x64xf32, #tpu.memory_space<vmem>>) dst(%dma_wait3A_195 : memref<128x64xf32, #tpu.memory_space<hbm>>)
    %add3A_196 = arith.constant 25216 : i32
    %add3A_197 = arith.addi %mul3A_2, %add3A_196 : i32
    %dma_wait3A_198 = arith.constant 0 : i32
    %dma_wait3A_199 = tpu.memref_slice %arg4[%add3A_197, %dma_wait3A_198] : memref<819200x64xf32, #tpu.memory_space<hbm>> -> memref<128x64xf32, #tpu.memory_space<hbm>>
    %dma_wait3A_200 = arith.constant 0 : i32
    %dma_wait3A_201 = tpu.memref_slice %arg4[%add3A_197, %dma_wait3A_200] : memref<819200x64xf32, #tpu.memory_space<hbm>> -> memref<128x64xf32, #tpu.memory_space<hbm>>
    tpu.wait_dma2 semaphore(%arg27 : memref<!tpu.dma_semaphore, #tpu.memory_space<semaphore_mem>>) src(%arg11 : memref<128x64xf32, #tpu.memory_space<vmem>>) dst(%dma_wait3A_201 : memref<128x64xf32, #tpu.memory_space<hbm>>)
    %add3A_202 = arith.constant 25344 : i32
    %add3A_203 = arith.addi %mul3A_2, %add3A_202 : i32
    %dma_wait3A_204 = arith.constant 0 : i32
    %dma_wait3A_205 = tpu.memref_slice %arg4[%add3A_203, %dma_wait3A_204] : memref<819200x64xf32, #tpu.memory_space<hbm>> -> memref<128x64xf32, #tpu.memory_space<hbm>>
    %dma_wait3A_206 = arith.constant 0 : i32
    %dma_wait3A_207 = tpu.memref_slice %arg4[%add3A_203, %dma_wait3A_206] : memref<819200x64xf32, #tpu.memory_space<hbm>> -> memref<128x64xf32, #tpu.memory_space<hbm>>
    tpu.wait_dma2 semaphore(%arg28 : memref<!tpu.dma_semaphore, #tpu.memory_space<semaphore_mem>>) src(%arg12 : memref<128x64xf32, #tpu.memory_space<vmem>>) dst(%dma_wait3A_207 : memref<128x64xf32, #tpu.memory_space<hbm>>)
    %add3A_208 = arith.constant 25472 : i32
    %add3A_209 = arith.addi %mul3A_2, %add3A_208 : i32
    %dma_wait3A_210 = arith.constant 0 : i32
    %dma_wait3A_211 = tpu.memref_slice %arg4[%add3A_209, %dma_wait3A_210] : memref<819200x64xf32, #tpu.memory_space<hbm>> -> memref<128x64xf32, #tpu.memory_space<hbm>>
    %dma_wait3A_212 = arith.constant 0 : i32
    %dma_wait3A_213 = tpu.memref_slice %arg4[%add3A_209, %dma_wait3A_212] : memref<819200x64xf32, #tpu.memory_space<hbm>> -> memref<128x64xf32, #tpu.memory_space<hbm>>
    tpu.wait_dma2 semaphore(%arg29 : memref<!tpu.dma_semaphore, #tpu.memory_space<semaphore_mem>>) src(%arg13 : memref<128x64xf32, #tpu.memory_space<vmem>>) dst(%dma_wait3A_213 : memref<128x64xf32, #tpu.memory_space<hbm>>)
    return
  }
}

</mosaic_0001>

<sc_bundles>
// kernel: _gather.3.cloned.1.call-start
scs
__scs_entry_jumppad:
0x0: {  	(pc) =	sbr.rel $0x88, $3  }
0x1: {  	(tag) =	ssettag $0x0;
	lr =	simm.s32 $0x1  }
0x2: {  	[smem:$0x3F9F] =	sst lr;
	_ =	strace $0xD0000000  }
0x3: {  	_ = 	snop  }
0x4: {  	_ = 	snop  }
0x5: {  	_ = 	snop  }
0x6: {  	_ = 	snop  }
0x7: {  	_ = 	snop  }
__scs_overlays_trampoline_lowered:
0x8: {  	[smem:$0x3FAE] =	sst s0  }
0x9: {  	[smem:$0x3FAF] =	sst s1  }
0xa: {  	[smem:$0x3FB0] =	sst s2  }
0xb: {  	[smem:$0x3FB1] =	sst s3  }
0xc: {  	[smem:$0x3FB2] =	sst s4  }
0xd: {  	[smem:$0x3FB3] =	sst s5  }
0xe: {  	[smem:$0x3FB4] =	sst s6  }
0xf: {  	[smem:$0x3FB5] =	sst s7  }
0x10: {  	[smem:$0x3FB6] =	sst s8  }
0x11: {  	[smem:$0x3FB7] =	sst s9;
	s0 =	simm.s32 @!p0 $0x0  }
0x12: {  	s1 =	sld [smem:$0x3F9D];
	s0 =	simm.s32 @p0 $0x1  }
0x13: {  	[smem:$0x3FB8] =	sst s0;
	s0 =	simm.s32 @!p1 $0x0  }
0x14: {  	s2 =	sld [smem:$0x3F9C];
	s0 =	simm.s32 @p1 $0x1  }
0x15: {  	[smem:$0x3FB9] =	sst s0;
	s0 =	simm.s32 @!p2 $0x0  }
0x16: {  	s3 =	sld [smem:$0x3FDB];
	s0 =	simm.s32 @p2 $0x1  }
0x17: {  	s4 =	simm.s32 $0x1BF5;
	[smem:$0x3FBB] =	sst s0  }
0x18: {  	s0 =	sld [smem:$0x3F9E];
	_ =	swait.ge [sflag:s4], $0x0  }
0x19: {  	s7 =	sld [smem:$0x3F9F]  }
0x1a: {  	s8 =	sadd.s32 $0xFFFFE003, lr  }
0x1b: {  	s9 =	sadd.s32 $0xFFFFFEF7, lr;
	s5 =	simm.s32 $0xFFFFFFFF;
	p2 =	slt.u32 s8, $0xFFFFF086  }
0x1c: {  	p1 =	slt.u32 s9, $0xF7A;
	s5 =	simm.s32 @!p2 $0x0  }
0x1d: {  	s5 =	simm.s32 @p1 $0x1;
	p0 =	seq.s32 s7, s2  }
0x1e: {  	s7 =	smul.u32 @!p0 $0xF7A, s2;
	p2 =	seq.s32 @!p0 s5, $0x0  }
0x1f: {  	s9 =	smul.u32 $0xF7A, s1;
	s8 =	simm.s32 @!p0 $0x1BF5;
	p2 =	por !p2, p0  }
0x20: {  	[sflag:s8] =	ssyncset.s32 @!p0 $0xFFFFF086;
	s6 =	sadd.s32 @!p0 s3, s7;
	s7 =	simm.s32 @!p0 $0x108  }
0x21: {  	s3 =	sadd.s32 s3, s9;
	s6 =	sadd.s32 @!p0 $0x88, s6;
	s7 =	simm.s32 @p2 $0x1082  }
0x22: {  	[simem:s7], [sflag:s8] =	dma.local @!p0 [hbm:s6], $0xF7A  }
0x23: {  	s9 =	sor.u32 $0xD0000000, s2;
	s6 =	simm.s32 $0x108;
	_ =	swait.ge @!p0 [sflag:s8], $0x0  }
0x24: {  	s3 =	sadd.s32 $0x88, s3;
	s6 =	simm.s32 @!p1 $0x1082;
	[sflag:s4] =	ssyncset.s32 $0xFFFFF086  }
0x25: {  	[simem:s6], [sflag:s4] =	dma.local [hbm:s3], $0xF7A  }
0x26: {  	[smem:$0x3F9F] =	sst s1;
	(tag) =	ssettag s2;
	_ =	strace s9  }
0x27: {  	s1 =	sld [smem:$0x3FAF]  }
0x28: {  	s2 =	sld [smem:$0x3FB0]  }
0x29: {  	s4 =	sld [smem:$0x3FB2]  }
0x2a: {  	p0 =	seq.s32 s5, $0x0;
	s5 =	sld [smem:$0x3FB3]  }
0x2b: {  	s6 =	sld [smem:$0x3FB4]  }
0x2c: {  	s7 =	sld [smem:$0x3FB5]  }
0x2d: {  	s3 =	simm.s32 $0x108;
	s8 =	sld [smem:$0x3FB6]  }
0x2e: {  	s3 =	simm.s32 @!p0 $0x1082;
	s9 =	sld [smem:$0x3FB7]  }
0x2f: {  	lr =	sadd.s32 s0, s3;
	s0 =	sld [smem:$0x3FAE]  }
0x30: {  	s3 =	sld [smem:$0x3FB1]  }
0x31: {  	[smem:$0x3FBA] =	sst s10  }
0x32: {  	s10 =	sld [smem:$0x3FB8];
	_ =	sdelay $0x3  }
0x33: {  	p0 =	seq.s32 s10, $0x1;
	s10 =	sld [smem:$0x3FBA];
	_ =	sdelay $0x3  }
0x34: {  	[smem:$0x3FBA] =	sst s10  }
0x35: {  	s10 =	sld [smem:$0x3FB9];
	_ =	sdelay $0x3  }
0x36: {  	p1 =	seq.s32 s10, $0x1;
	s10 =	sld [smem:$0x3FBA];
	_ =	sdelay $0x3  }
0x37: {  	[smem:$0x3FBA] =	sst s10  }
0x38: {  	s10 =	sld [smem:$0x3FBB]  }
0x39: {  	_ = 	snop;
	(pc) =	sbr.ind lr, $3  }
0x3a: {  	_ = 	snop  }
0x3b: {  	_ = 	snop  }
0x3c: {  	p2 =	seq.s32 s10, $0x1;
	s10 =	sld [smem:$0x3FBA]  }
0x3d: {  	_ =	shalt  }
0x3e: {  	_ =	shalt  }
0x3f: {  	_ =	shalt  }
0x40: {  	_ =	shalt  }
0x41: {  	_ =	shalt  }
0x42: {  	_ =	shalt  }
0x43: {  	_ =	shalt  }
0x44: {  	_ =	shalt  }
0x45: {  	_ =	shalt  }
0x46: {  	_ =	shalt  }
0x47: {  	_ =	shalt  }
0x48: {  	_ =	shalt  }
0x49: {  	_ =	shalt  }
0x4a: {  	_ =	shalt  }
0x4b: {  	_ =	shalt  }
0x4c: {  	_ =	shalt  }
0x4d: {  	_ =	shalt  }
0x4e: {  	_ =	shalt  }
0x4f: {  	_ =	shalt  }
0x50: {  	_ =	shalt  }
0x51: {  	_ =	shalt  }
0x52: {  	_ =	shalt  }
0x53: {  	_ =	shalt  }
0x54: {  	_ =	shalt  }
0x55: {  	_ =	shalt  }
0x56: {  	_ =	shalt  }
0x57: {  	_ =	shalt  }
0x58: {  	_ =	shalt  }
0x59: {  	_ =	shalt  }
0x5a: {  	_ =	shalt  }
0x5b: {  	_ =	shalt  }
0x5c: {  	_ =	shalt  }
0x5d: {  	_ =	shalt  }
0x5e: {  	_ =	shalt  }
0x5f: {  	_ =	shalt  }
0x60: {  	_ =	shalt  }
0x61: {  	_ =	shalt  }
0x62: {  	_ =	shalt  }
0x63: {  	_ =	shalt  }
0x64: {  	_ =	shalt  }
0x65: {  	_ =	shalt  }
0x66: {  	_ =	shalt  }
0x67: {  	_ =	shalt  }
0x68: {  	_ =	shalt  }
0x69: {  	_ =	shalt  }
0x6a: {  	_ =	shalt  }
0x6b: {  	_ =	shalt  }
0x6c: {  	_ =	shalt  }
0x6d: {  	_ =	shalt  }
0x6e: {  	_ =	shalt  }
0x6f: {  	_ =	shalt  }
0x70: {  	_ =	shalt  }
0x71: {  	_ =	shalt  }
0x72: {  	_ =	shalt  }
0x73: {  	_ =	shalt  }
0x74: {  	_ =	shalt  }
0x75: {  	_ =	shalt  }
0x76: {  	_ =	shalt  }
0x77: {  	_ =	shalt  }
0x78: {  	_ =	shalt  }
0x79: {  	_ =	shalt  }
0x7a: {  	_ =	shalt  }
0x7b: {  	_ =	shalt  }
0x7c: {  	_ =	shalt  }
0x7d: {  	_ =	shalt  }
0x7e: {  	_ =	shalt  }
0x7f: {  	_ =	shalt  }
0x80: {  	_ =	shalt  }
0x81: {  	_ =	shalt  }
0x82: {  	_ =	shalt  }
0x83: {  	_ =	shalt  }
0x84: {  	_ =	shalt  }
0x85: {  	_ =	shalt  }
0x86: {  	_ =	shalt  }
0x87: {  	_ =	shalt  }
.Lfunc_end0:
.L_simem_size_0:
called_computation.1_lowered:
.L_overlay_start_0:
0x88: {  	s2 =	sld [smem:$0x3FD9]  }
0x89: {  	s3 =	sld [smem:$0x3FFE];
	_ =	sdelay $0x1  }
0x8a: {  	s1 =	srdreg.scid  }
0x8b: {  	s0 =	sand.u32 $0x1, s1  }
0x8c: {  	s17 =	sshll.u32 s0, $0xA;
	s2 =	sadd.s32 s3, s2  }
0x8d: {  	s2 =	sadd.s32 s2, s17  }
0x8e: {  	[smem:$0x3FC6] =	sst s2  }
0x8f: {  	_ = 	snop  }
0x90: {  	s2 =	sld [smem:$0x3FC9]  }
0x91: {  	s18 =	sld [smem:$0x3FD0];
	(tm) =	ssettm $0x1  }
0x92: {  	s4 =	sld [smem:$0x3FFB];
	_ =	sdelay $0x3  }
0x93: {  	_ =	strace s4  }
0x94: {  	s4 =	sld [smem:$0x3FFC];
	_ =	sdelay $0x3  }
0x95: {  	_ =	strace s4  }
0x96: {  	s4 =	sld [smem:$0x3FFD];
	_ =	sdelay $0x3  }
0x97: {  	_ =	strace s4  }
0x98: {  	_ =	strace $0x8FFFFFFF  }
0x99: {  	s19 =	sld [smem:$0x3FDB];
	_ =	sdelay $0x1  }
0x9a: {  	s5 =	simm.s32 $_scs_section_size  }
0x9b: {  	s6 =	simm.s32 $_size__tile_overlayer_lowered;
	s7 =	simm.s32 $_tile_overlayer_lowered  }
0x9c: {  	s22 =	simm.s32 $0x1BFF;
	s21 =	sshll.u32 s7, $0x1;
	s4 =	sadd.s32 s5, s19  }
0x9d: {  	s8 =	simm.s32 $0x0;
	s20 =	sshll.u32 s6, $0x1;
	s6 =	sadd.s32 s21, s4  }
0x9e: {  	[timem:s8], [sflag:s22] =	dma.local [hbm:s6], s20  }
0x9f: {  	_ =	swait.ge [sflag:s22], s20  }
0xa0: {  	s5 =	ssub.s32 $0x0, s20;
	[sflag:s22] =	ssyncset.done $0x0  }
0xa1: {  	[sflag:s22] =	ssyncadd.s32 s5;
	_ =	sdelay $0x1  }
0xa2: {  	s23 =	simm.s32 $0x1B8B  }
0xa3: {  	_ =	swait.ge [sflag:s23], $0x1  }
0xa4: {  	[sflag:s23] =	ssyncset.done $0x0  }
0xa5: {  	s25 =	simm.s32 $0x1B8E;
	s24 =	sld [smem:$0x3FFE];
	[sflag:s23] =	ssyncadd.s32 $0xFFFFFFFF  }
0xa6: {  	s26 =	simm.s32 $execute0_lowered;
	[smem:$0x3FD2] =	sst s25  }
0xa7: {  	s6 =	sshll.u32 s26, $0x1;
	_ =	strace $0x80000046;
	[dreg:$0x1] =	wrdreg $0xFFFFFFFF  }
0xa8: {  	s28 =	simm.s32 $_size_execute0_lowered;
	s4 =	sadd.s32 s4, s6;
	[dreg:$0x0] =	wrdreg $0x0  }
0xa9: {  	s6 =	sshll.u32 s28, $0x1;
	[dreg:$0x2] =	wrdreg s4  }
0xaa: {  	[dreg:$0x3] =	wrdreg s6  }
0xab: {  	[dreg:$0x4] =	wrdreg $0xC0  }
0xac: {  	_ =	task [dreg:s8], $0x5FFFF  }
0xad: {  	[dreg:$0x1] =	wrdreg $0xFFFFFFFF  }
0xae: {  	[dreg:$0x0] =	wrdreg $0x60  }
0xaf: {  	[dreg:$0x2] =	wrdreg s2  }
0xb0: {  	[dreg:$0x3] =	wrdreg s24  }
0xb1: {  	[dreg:$0x4] =	wrdreg s18  }
0xb2: {  	[dreg:$0x5] =	wrdreg $0x9  }
0xb3: {  	_ =	task.clear_ibuf [dreg:s8], $0x6FFFF;
	_ =	strace $0x90000046  }
0xb4: {  	s29 =	simm.s32 $0x9;
	_ =	strace $0x80000048  }
0xb5: {  	_ =	swait.ge [sflag:s29], $0x1  }
0xb6: {  	[sflag:s29] =	ssyncadd.s32 $0xFFFFFFFF  }
0xb7: {  	_ =	strace $0x90000048  }
0xb8: {  	_ =	sfence  }
0xb9: {  	s30 =	sld [smem:$0x0];
	_ =	sdelay $0x2  }
0xba: {  	s31 =	sshll.u32 s1, $0xD;
	s1 =	sshrl.u32 s1, $0x2  }
0xbb: {  	s3 =	sand.u32 $0x4000, s31;
	s1 =	sadd.s32 s1, s30  }
0xbc: {  	s0 =	sor.u32 s3, s0;
	s1 =	sshll.u32 s1, $0x11  }
0xbd: {  	s0 =	sor.u32 s1, s0  }
0xbe: {  	s0 =	sadd.s32 $0x8F2B, s0  }
0xbf: {  	[sflag:s0] =	ssyncadd.remote.s32 $0x1  }
0xc0: {  	_ =	sfence.sel $0xFFFF  }
0xc1: {  	[dreg:$0x0] =	wrdreg $0xFFFFFFFF;
	(pc) =	sbr.abs _section_cstart, $3  }
0xc2: {  	[dreg:$0x1] =	wrdreg $0xFFFFFFFF  }
0xc3: {  	_ =	task.clear_ibuf [dreg:s8], $0x2FFFF;
	_ =	strace $0x9FFFFFFF  }
0xc4: {  	(tm) =	ssettm $0x7FFFFFFF  }
0xc5: {  	_ =	shalt  }
tec
execute0_lowered:
.L_overlay_start_1:
0x0: {  	(tag) =	ssettag $0x1  }
0x1: {  	s0 =	rddreg [dreg:$0x0]  }
0x2: {  	s1 =	srdreg.scid;
	s2 =	rddreg [dreg:$0x1]  }
0x3: {  	s4 =	stileid.u32;
	s10 =	rddreg [dreg:$0x2];
	s28 =	simm.s32 $0x10400  }
0x4: {  	s29 =	simm.s32 $0x2;
	s31 =	simm.s32 $0x12400;
	s30 =	simm.s32 $0xA  }
0x5: {  	s1 =	sand.u32 $0x1, s1;
	s3 =	sshll.u32 s4, $0x1;
	s7 =	smul.u32 $0xC800, s4  }
0x6: {  	s5 =	sor.u32 s1, s3;
	s8 =	ssub.s32 $0x2, s1;
	s1 =	smul.u32 $0x6400, s1  }
0x7: {  	s4 =	sadd.s32 $0xF42C00, s2;
	s3 =	simm.s32 $0x0;
	s6 =	smul.u32 $0x6400, s5  }
0x8: {  	[smem:$0x7FF] =	sst s3;
	s26 =	sshrl.u32 s8, $0x1;
	s9 =	smul.u32 $0x32000, s5  }
0x9: {  	s5 =	smul.u32 $0x190000, s5;
	_ =	strace $0x80000047;
	s2 =	ssub.s32 s8, s26  }
0xa: {  	s1 =	sadd.s32 s1, s7;
	s7 =	simm.s32 $0x7;
	s11 =	sadd.s32 s10, s9  }
0xb: {  	s6 =	sshrl.u32 s6, $0x3;
	s26 =	smax.u32 s2, $0x1;
	[dreg:$0xd] =	wrdreg s11  }
0xc: {  	s8 =	simm.s32 $0xC;
	s0 =	sadd.s32 s0, s6;
	[dreg:$0x15] =	wrdreg s26  }
0xd: {  	s12 =	sshll.u32 s1, $0x3;
	s13 =	sadd.s32 $0x400, s11;
	[dreg:$0xc] =	wrdreg s0  }
0xe: {  	s5 =	sshrl.u32 s5, $0x3;
	s14 =	sadd.s32 $0x800, s11;
	[dreg:$0xe] =	wrdreg s13  }
0xf: {  	s1 =	simm.s32 $0x3;
	s15 =	sor.u32 $0x1C00, s12;
	[dreg:$0xf] =	wrdreg s14  }
0x10: {  	s9 =	simm.s32 $0x8;
	s6 =	sadd.s32 $0xC00, s11;
	[dreg:$0x4] =	wrdreg s15  }
0x11: {  	s16 =	sor.u32 $0x1800, s12;
	s17 =	sor.u32 $0x1400, s12;
	[dreg:$0x10] =	wrdreg s6  }
0x12: {  	s18 =	sor.u32 $0x1000, s12;
	s5 =	sadd.s32 s10, s5;
	[dreg:$0x5] =	wrdreg s16  }
0x13: {  	s19 =	sadd.s32 $0x2C00, s12;
	s21 =	sadd.s32 $0x2800, s12;
	[dreg:$0x6] =	wrdreg s17  }
0x14: {  	s23 =	sadd.s32 $0x2400, s12;
	s26 =	simm.s32 $0x5;
	[dreg:$0x7] =	wrdreg s18  }
0x15: {  	s10 =	simm.s32 $0xD;
	s11 =	simm.s32 $0xE;
	[dreg:$0x8] =	wrdreg s19  }
0x16: {  	s20 =	sadd.s32 $0x31000, s5;
	s22 =	sadd.s32 $0x31400, s5;
	[dreg:$0x9] =	wrdreg s21  }
0x17: {  	s24 =	sadd.s32 $0x31800, s5;
	[dreg:$0xa] =	wrdreg s23;
	s0 =	sadd.s32 $0x2000, s12  }
0x18: {  	s25 =	sadd.s32 $0x31C00, s5;
	s16 =	simm.s32 $0x80;
	s17 =	simm.s32 $0x6400  }
0x19: {  	s18 =	simm.s32 $0x8400;
	s19 =	simm.s32 $0x14400;
	[dreg:$0x11] =	wrdreg s20  }
0x1a: {  	s21 =	simm.s32 $0x4;
	s23 =	simm.s32 $0x9;
	[dreg:$0x12] =	wrdreg s22  }
0x1b: {  	s5 =	simm.s32 $0xB;
	s12 =	simm.s32 $0xF;
	[dreg:$0x13] =	wrdreg s24  }
0x1c: {  	s13 =	simm.s32 $0x10;
	s6 =	simm.s32 $0x0;
	[dreg:$0x14] =	wrdreg s25  }
0x1d: {  	[dreg:$0xb] =	wrdreg s0;
	s20 =	simm.s32 $0xA400;
	s22 =	simm.s32 $0xC400  }
0x1e: {  	s24 =	simm.s32 $0xE400;
	s25 =	simm.s32 $0x1;
	s0 =	simm.s32 $0x6  }
.LBB2_1:
0x1f: {  	[dreg:$0x16] =	wrdreg s6  }
0x20: {  	s2 =	rddreg [dreg:$0xc];
	s15 =	simm.s32 $0x11  }
0x21: {  	[tilespmem:s3], [sflag:$0x11] =	stream.linear.gather [hbm4b:s2+s3], $0x6400, $0x38;
	[tilespmem:$0x16400] =	vst v63  }
0x22: {  	_ =	swait.ge [sflag:s15], $0x6400  }
0x23: {  	[sflag:s15] =	ssyncset.done $0x0  }
0x24: {  	[sflag:s15] =	ssyncadd.s32 $0xFFFF9C00  }
0x25: {  	[tilespmem:s17], [sflag:$0x1] =	stream.indirect.gather [hbm4b:s4+s16], $0x40, s3, s16, $0xb8;
	[tilespmem:$0x16400] =	vst v63  }
0x26: {  	_ = 	snop  }
0x27: {  	[tilespmem:s18], [sflag:$0x2] =	stream.indirect.gather [hbm4b:s4+s16], $0x40, s16, s16, $0xb8;
	[tilespmem:$0x16400] =	vst v63  }
0x28: {  	s6 =	simm.s32 $0x100  }
0x29: {  	[tilespmem:s20], [sflag:$0x3] =	stream.indirect.gather [hbm4b:s4+s16], $0x40, s6, s16, $0xb8;
	[tilespmem:$0x16400] =	vst v63  }
0x2a: {  	s14 =	simm.s32 $0x180  }
0x2b: {  	[tilespmem:s22], [sflag:$0x4] =	stream.indirect.gather [hbm4b:s4+s16], $0x40, s14, s16, $0xb8;
	[tilespmem:$0x16400] =	vst v63  }
0x2c: {  	s15 =	simm.s32 $0x200  }
0x2d: {  	[tilespmem:s24], [sflag:$0x5] =	stream.indirect.gather [hbm4b:s4+s16], $0x40, s15, s16, $0xb8;
	[tilespmem:$0x16400] =	vst v63  }
0x2e: {  	_ =	swait.ge [sflag:s25], $0x2000  }
0x2f: {  	[sflag:s25] =	ssyncset.done $0x0  }
0x30: {  	s6 =	rddreg [dreg:$0xd];
	[sflag:s25] =	ssyncadd.s32 $0xFFFFE000  }
0x31: {  	[hbm4b:s6+s3] =	stream.linear.scatter [tilespmem:s17], [sflag:$0x9], $0x2000, $0x38;
	[tilespmem:$0x16400] =	vst v63  }
0x32: {  	s14 =	simm.s32 $0x280  }
0x33: {  	[tilespmem:s28], [sflag:$0x6] =	stream.indirect.gather [hbm4b:s4+s16], $0x40, s14, s16, $0xb8;
	[tilespmem:$0x16400] =	vst v63  }
0x34: {  	_ =	swait.ge [sflag:s29], $0x2000  }
0x35: {  	[sflag:s29] =	ssyncset.done $0x0  }
0x36: {  	s15 =	rddreg [dreg:$0xe];
	[sflag:s29] =	ssyncadd.s32 $0xFFFFE000  }
0x37: {  	[hbm4b:s15+s3] =	stream.linear.scatter [tilespmem:s18], [sflag:$0xA], $0x2000, $0x38;
	[tilespmem:$0x16400] =	vst v63  }
0x38: {  	s6 =	simm.s32 $0x300  }
0x39: {  	[tilespmem:s31], [sflag:$0x7] =	stream.indirect.gather [hbm4b:s4+s16], $0x40, s6, s16, $0xb8;
	[tilespmem:$0x16400] =	vst v63  }
0x3a: {  	_ =	swait.ge [sflag:s1], $0x2000  }
0x3b: {  	[sflag:s1] =	ssyncset.done $0x0  }
0x3c: {  	s14 =	rddreg [dreg:$0xf];
	[sflag:s1] =	ssyncadd.s32 $0xFFFFE000  }
0x3d: {  	[hbm4b:s14+s3] =	stream.linear.scatter [tilespmem:s20], [sflag:$0xB], $0x2000, $0x38;
	[tilespmem:$0x16400] =	vst v63  }
0x3e: {  	s15 =	simm.s32 $0x380  }
0x3f: {  	[tilespmem:s19], [sflag:$0x8] =	stream.indirect.gather [hbm4b:s4+s16], $0x40, s15, s16, $0xb8;
	[tilespmem:$0x16400] =	vst v63  }
0x40: {  	_ =	swait.ge [sflag:s21], $0x2000  }
0x41: {  	[sflag:s21] =	ssyncset.done $0x0  }
0x42: {  	s6 =	rddreg [dreg:$0x10];
	[sflag:s21] =	ssyncadd.s32 $0xFFFFE000  }
0x43: {  	[hbm4b:s6+s3] =	stream.linear.scatter [tilespmem:s22], [sflag:$0xC], $0x2000, $0x38;
	[tilespmem:$0x16400] =	vst v63  }
0x44: {  	_ =	swait.ge [sflag:s23], $0x2000  }
0x45: {  	[sflag:s23] =	ssyncset.done $0x0  }
0x46: {  	s14 =	simm.s32 $0x400;
	[sflag:s23] =	ssyncadd.s32 $0xFFFFE000  }
0x47: {  	[tilespmem:s17], [sflag:$0x1] =	stream.indirect.gather [hbm4b:s4+s16], $0x40, s14, s16, $0xb8;
	[tilespmem:$0x16400] =	vst v63  }
0x48: {  	_ =	swait.ge [sflag:s26], $0x2000  }
0x49: {  	[sflag:s26] =	ssyncset.done $0x0  }
0x4a: {  	s15 =	rddreg [dreg:$0x7];
	[sflag:s26] =	ssyncadd.s32 $0xFFFFE000  }
0x4b: {  	s14 =	rddreg [dreg:$0x2]  }
0x4c: {  	s2 =	sadd.s32 s14, s15  }
0x4d: {  	[hbm4b:s2+s3] =	stream.linear.scatter [tilespmem:s24], [sflag:$0xD], $0x2000, $0x38;
	[tilespmem:$0x16400] =	vst v63  }
0x4e: {  	_ =	swait.ge [sflag:s30], $0x2000  }
0x4f: {  	[sflag:s30] =	ssyncset.done $0x0  }
0x50: {  	s6 =	simm.s32 $0x480;
	[sflag:s30] =	ssyncadd.s32 $0xFFFFE000  }
0x51: {  	[tilespmem:s18], [sflag:$0x2] =	stream.indirect.gather [hbm4b:s4+s16], $0x40, s6, s16, $0xb8;
	[tilespmem:$0x16400] =	vst v63  }
0x52: {  	_ =	swait.ge [sflag:s0], $0x2000  }
0x53: {  	s15 =	rddreg [dreg:$0x6];
	[sflag:s0] =	ssyncset.done $0x0  }
0x54: {  	[sflag:s0] =	ssyncadd.s32 $0xFFFFE000;
	s2 =	sadd.s32 s14, s15  }
0x55: {  	[hbm4b:s2+s3] =	stream.linear.scatter [tilespmem:s28], [sflag:$0xE], $0x2000, $0x38;
	[tilespmem:$0x16400] =	vst v63  }
0x56: {  	_ =	swait.ge [sflag:s5], $0x2000  }
0x57: {  	[sflag:s5] =	ssyncset.done $0x0  }
0x58: {  	s6 =	simm.s32 $0x500;
	[sflag:s5] =	ssyncadd.s32 $0xFFFFE000  }
0x59: {  	[tilespmem:s20], [sflag:$0x3] =	stream.indirect.gather [hbm4b:s4+s16], $0x40, s6, s16, $0xb8;
	[tilespmem:$0x16400] =	vst v63  }
0x5a: {  	_ =	swait.ge [sflag:s7], $0x2000  }
0x5b: {  	s15 =	rddreg [dreg:$0x5];
	[sflag:s7] =	ssyncset.done $0x0  }
0x5c: {  	[sflag:s7] =	ssyncadd.s32 $0xFFFFE000;
	s2 =	sadd.s32 s14, s15  }
0x5d: {  	[hbm4b:s2+s3] =	stream.linear.scatter [tilespmem:s31], [sflag:$0xF], $0x2000, $0x38;
	[tilespmem:$0x16400] =	vst v63  }
0x5e: {  	_ =	swait.ge [sflag:s8], $0x2000  }
0x5f: {  	[sflag:s8] =	ssyncset.done $0x0  }
0x60: {  	s6 =	simm.s32 $0x580;
	[sflag:s8] =	ssyncadd.s32 $0xFFFFE000  }
0x61: {  	[tilespmem:s22], [sflag:$0x4] =	stream.indirect.gather [hbm4b:s4+s16], $0x40, s6, s16, $0xb8;
	[tilespmem:$0x16400] =	vst v63  }
0x62: {  	_ =	swait.ge [sflag:s9], $0x2000  }
0x63: {  	s15 =	rddreg [dreg:$0x4];
	[sflag:s9] =	ssyncset.done $0x0  }
0x64: {  	[sflag:s9] =	ssyncadd.s32 $0xFFFFE000;
	s2 =	sadd.s32 s14, s15  }
0x65: {  	[hbm4b:s2+s3] =	stream.linear.scatter [tilespmem:s19], [sflag:$0x10], $0x2000, $0x38;
	[tilespmem:$0x16400] =	vst v63  }
0x66: {  	_ =	swait.ge [sflag:s10], $0x2000  }
0x67: {  	[sflag:s10] =	ssyncset.done $0x0  }
0x68: {  	s6 =	simm.s32 $0x600;
	[sflag:s10] =	ssyncadd.s32 $0xFFFFE000  }
0x69: {  	[tilespmem:s24], [sflag:$0x5] =	stream.indirect.gather [hbm4b:s4+s16], $0x40, s6, s16, $0xb8;
	[tilespmem:$0x16400] =	vst v63  }
0x6a: {  	_ =	swait.ge [sflag:s25], $0x2000  }
0x6b: {  	s15 =	rddreg [dreg:$0xb];
	[sflag:s25] =	ssyncset.done $0x0  }
0x6c: {  	[sflag:s25] =	ssyncadd.s32 $0xFFFFE000;
	s2 =	sadd.s32 s14, s15  }
0x6d: {  	[hbm4b:s2+s3] =	stream.linear.scatter [tilespmem:s17], [sflag:$0x9], $0x2000, $0x38;
	[tilespmem:$0x16400] =	vst v63  }
0x6e: {  	_ =	swait.ge [sflag:s11], $0x2000  }
0x6f: {  	[sflag:s11] =	ssyncset.done $0x0  }
0x70: {  	s6 =	simm.s32 $0x680;
	[sflag:s11] =	ssyncadd.s32 $0xFFFFE000  }
0x71: {  	[tilespmem:s28], [sflag:$0x6] =	stream.indirect.gather [hbm4b:s4+s16], $0x40, s6, s16, $0xb8;
	[tilespmem:$0x16400] =	vst v63  }
0x72: {  	_ =	swait.ge [sflag:s29], $0x2000  }
0x73: {  	s15 =	rddreg [dreg:$0xa];
	[sflag:s29] =	ssyncset.done $0x0  }
0x74: {  	[sflag:s29] =	ssyncadd.s32 $0xFFFFE000;
	s2 =	sadd.s32 s14, s15  }
0x75: {  	[hbm4b:s2+s3] =	stream.linear.scatter [tilespmem:s18], [sflag:$0xA], $0x2000, $0x38;
	[tilespmem:$0x16400] =	vst v63  }
0x76: {  	_ =	swait.ge [sflag:s12], $0x2000  }
0x77: {  	[sflag:s12] =	ssyncset.done $0x0  }
0x78: {  	s6 =	simm.s32 $0x700;
	[sflag:s12] =	ssyncadd.s32 $0xFFFFE000  }
0x79: {  	[tilespmem:s31], [sflag:$0x7] =	stream.indirect.gather [hbm4b:s4+s16], $0x40, s6, s16, $0xb8;
	[tilespmem:$0x16400] =	vst v63  }
0x7a: {  	_ =	swait.ge [sflag:s1], $0x2000  }
0x7b: {  	s15 =	rddreg [dreg:$0x9];
	[sflag:s1] =	ssyncset.done $0x0  }
0x7c: {  	[sflag:s1] =	ssyncadd.s32 $0xFFFFE000;
	s2 =	sadd.s32 s14, s15  }
0x7d: {  	[hbm4b:s2+s3] =	stream.linear.scatter [tilespmem:s20], [sflag:$0xB], $0x2000, $0x38;
	[tilespmem:$0x16400] =	vst v63  }
0x7e: {  	_ =	swait.ge [sflag:s13], $0x2000  }
0x7f: {  	[sflag:s13] =	ssyncset.done $0x0  }
0x80: {  	s6 =	simm.s32 $0x780;
	[sflag:s13] =	ssyncadd.s32 $0xFFFFE000  }
0x81: {  	[tilespmem:s19], [sflag:$0x8] =	stream.indirect.gather [hbm4b:s4+s16], $0x40, s6, s16, $0xb8;
	[tilespmem:$0x16400] =	vst v63  }
0x82: {  	_ =	swait.ge [sflag:s21], $0x2000  }
0x83: {  	s6 =	simm.s32 $0x1000;
	s15 =	rddreg [dreg:$0x8];
	[sflag:s21] =	ssyncset.done $0x0  }
0x84: {  	[sflag:s21] =	ssyncadd.s32 $0xFFFFE000;
	s2 =	sadd.s32 s14, s15;
	s15 =	sadd.s32 $0x2000, s14  }
.LBB2_2:
0x85: {  	[hbm4b:s2+s3] =	stream.linear.scatter [tilespmem:s22], [sflag:$0xC], $0x2000, $0x38;
	[tilespmem:$0x16400] =	vst v63  }
0x86: {  	s14 =	smov.u32 s6;
	_ =	swait.ge [sflag:s23], $0x2000  }
0x87: {  	s2 =	sshra.s32 s14, $0x2;
	[sflag:s23] =	ssyncset.done $0x0  }
0x88: {  	s14 =	sadd.s32 $0x400, s2;
	[sflag:s23] =	ssyncadd.s32 $0xFFFFE000  }
0x89: {  	[tilespmem:s17], [sflag:$0x1] =	stream.indirect.gather [hbm4b:s4+s16], $0x40, s14, s16, $0xb8;
	[tilespmem:$0x16400] =	vst v63  }
0x8a: {  	_ =	swait.ge [sflag:s26], $0x2000  }
0x8b: {  	s14 =	rddreg [dreg:$0x7];
	[sflag:s26] =	ssyncset.done $0x0  }
0x8c: {  	[sflag:s26] =	ssyncadd.s32 $0xFFFFE000;
	s14 =	sadd.s32 s15, s14  }
0x8d: {  	[hbm4b:s14+s3] =	stream.linear.scatter [tilespmem:s24], [sflag:$0xD], $0x2000, $0x38;
	[tilespmem:$0x16400] =	vst v63  }
0x8e: {  	_ =	swait.ge [sflag:s30], $0x2000  }
0x8f: {  	[sflag:s30] =	ssyncset.done $0x0  }
0x90: {  	s14 =	sadd.s32 $0x480, s2;
	[sflag:s30] =	ssyncadd.s32 $0xFFFFE000  }
0x91: {  	[tilespmem:s18], [sflag:$0x2] =	stream.indirect.gather [hbm4b:s4+s16], $0x40, s14, s16, $0xb8;
	[tilespmem:$0x16400] =	vst v63  }
0x92: {  	_ =	swait.ge [sflag:s0], $0x2000  }
0x93: {  	s14 =	rddreg [dreg:$0x6];
	[sflag:s0] =	ssyncset.done $0x0  }
0x94: {  	[sflag:s0] =	ssyncadd.s32 $0xFFFFE000;
	s14 =	sadd.s32 s15, s14  }
0x95: {  	[hbm4b:s14+s3] =	stream.linear.scatter [tilespmem:s28], [sflag:$0xE], $0x2000, $0x38;
	[tilespmem:$0x16400] =	vst v63  }
0x96: {  	_ =	swait.ge [sflag:s5], $0x2000  }
0x97: {  	[sflag:s5] =	ssyncset.done $0x0  }
0x98: {  	s14 =	sadd.s32 $0x500, s2;
	[sflag:s5] =	ssyncadd.s32 $0xFFFFE000  }
0x99: {  	[tilespmem:s20], [sflag:$0x3] =	stream.indirect.gather [hbm4b:s4+s16], $0x40, s14, s16, $0xb8;
	[tilespmem:$0x16400] =	vst v63  }
0x9a: {  	_ =	swait.ge [sflag:s7], $0x2000  }
0x9b: {  	s14 =	rddreg [dreg:$0x5];
	[sflag:s7] =	ssyncset.done $0x0  }
0x9c: {  	[sflag:s7] =	ssyncadd.s32 $0xFFFFE000;
	s14 =	sadd.s32 s15, s14  }
0x9d: {  	[hbm4b:s14+s3] =	stream.linear.scatter [tilespmem:s31], [sflag:$0xF], $0x2000, $0x38;
	[tilespmem:$0x16400] =	vst v63  }
0x9e: {  	_ =	swait.ge [sflag:s8], $0x2000  }
0x9f: {  	[sflag:s8] =	ssyncset.done $0x0  }
0xa0: {  	s14 =	sadd.s32 $0x580, s2;
	[sflag:s8] =	ssyncadd.s32 $0xFFFFE000  }
0xa1: {  	[tilespmem:s22], [sflag:$0x4] =	stream.indirect.gather [hbm4b:s4+s16], $0x40, s14, s16, $0xb8;
	[tilespmem:$0x16400] =	vst v63  }
0xa2: {  	_ =	swait.ge [sflag:s9], $0x2000  }
0xa3: {  	s14 =	rddreg [dreg:$0x4];
	[sflag:s9] =	ssyncset.done $0x0  }
0xa4: {  	[sflag:s9] =	ssyncadd.s32 $0xFFFFE000;
	s14 =	sadd.s32 s15, s14  }
0xa5: {  	[hbm4b:s14+s3] =	stream.linear.scatter [tilespmem:s19], [sflag:$0x10], $0x2000, $0x38;
	[tilespmem:$0x16400] =	vst v63  }
0xa6: {  	_ =	swait.ge [sflag:s10], $0x2000  }
0xa7: {  	[sflag:s10] =	ssyncset.done $0x0  }
0xa8: {  	s14 =	sadd.s32 $0x600, s2;
	[sflag:s10] =	ssyncadd.s32 $0xFFFFE000  }
0xa9: {  	[tilespmem:s24], [sflag:$0x5] =	stream.indirect.gather [hbm4b:s4+s16], $0x40, s14, s16, $0xb8;
	[tilespmem:$0x16400] =	vst v63  }
0xaa: {  	_ =	swait.ge [sflag:s25], $0x2000  }
0xab: {  	s14 =	rddreg [dreg:$0xb];
	[sflag:s25] =	ssyncset.done $0x0  }
0xac: {  	[sflag:s25] =	ssyncadd.s32 $0xFFFFE000;
	s14 =	sadd.s32 s15, s14  }
0xad: {  	[hbm4b:s14+s3] =	stream.linear.scatter [tilespmem:s17], [sflag:$0x9], $0x2000, $0x38;
	[tilespmem:$0x16400] =	vst v63  }
0xae: {  	_ =	swait.ge [sflag:s11], $0x2000  }
0xaf: {  	[sflag:s11] =	ssyncset.done $0x0  }
0xb0: {  	s14 =	sadd.s32 $0x680, s2;
	[sflag:s11] =	ssyncadd.s32 $0xFFFFE000  }
0xb1: {  	[tilespmem:s28], [sflag:$0x6] =	stream.indirect.gather [hbm4b:s4+s16], $0x40, s14, s16, $0xb8;
	[tilespmem:$0x16400] =	vst v63  }
0xb2: {  	_ =	swait.ge [sflag:s29], $0x2000  }
0xb3: {  	s14 =	rddreg [dreg:$0xa];
	[sflag:s29] =	ssyncset.done $0x0  }
0xb4: {  	[sflag:s29] =	ssyncadd.s32 $0xFFFFE000;
	s14 =	sadd.s32 s15, s14  }
0xb5: {  	[hbm4b:s14+s3] =	stream.linear.scatter [tilespmem:s18], [sflag:$0xA], $0x2000, $0x38;
	[tilespmem:$0x16400] =	vst v63  }
0xb6: {  	_ =	swait.ge [sflag:s12], $0x2000  }
0xb7: {  	[sflag:s12] =	ssyncset.done $0x0  }
0xb8: {  	s14 =	sadd.s32 $0x700, s2;
	[sflag:s12] =	ssyncadd.s32 $0xFFFFE000  }
0xb9: {  	[tilespmem:s31], [sflag:$0x7] =	stream.indirect.gather [hbm4b:s4+s16], $0x40, s14, s16, $0xb8;
	[tilespmem:$0x16400] =	vst v63  }
0xba: {  	_ =	swait.ge [sflag:s1], $0x2000  }
0xbb: {  	s14 =	rddreg [dreg:$0x9];
	[sflag:s1] =	ssyncset.done $0x0  }
0xbc: {  	[sflag:s1] =	ssyncadd.s32 $0xFFFFE000;
	s14 =	sadd.s32 s15, s14  }
0xbd: {  	[hbm4b:s14+s3] =	stream.linear.scatter [tilespmem:s20], [sflag:$0xB], $0x2000, $0x38;
	[tilespmem:$0x16400] =	vst v63  }
0xbe: {  	_ =	swait.ge [sflag:s13], $0x2000  }
0xbf: {  	p0 =	sne.s32 s6, $0x17000;
	[sflag:s13] =	ssyncset.done $0x0  }
.Ltmp0:
0xc0: {  	s2 =	sadd.s32 $0x780, s2;
	[sflag:s13] =	ssyncadd.s32 $0xFFFFE000;
	(pc) =	sbr.rel @p0 .LBB2_2-.Ltmp0, $4  }
0xc1: {  	[tilespmem:s19], [sflag:$0x8] =	stream.indirect.gather [hbm4b:s4+s16], $0x40, s2, s16, $0xb8;
	[tilespmem:$0x16400] =	vst v63  }
0xc2: {  	_ =	swait.ge [sflag:s21], $0x2000  }
0xc3: {  	s6 =	sadd.s32 $0x1000, s6;
	[sflag:s21] =	ssyncset.done $0x0;
	s14 =	rddreg [dreg:$0x8]  }
0xc4: {  	[sflag:s21] =	ssyncadd.s32 $0xFFFFE000;
	s2 =	sadd.s32 s15, s14;
	s15 =	sadd.s32 $0x2000, s15  }
0xc5: {  	[hbm4b:s2+s3] =	stream.linear.scatter [tilespmem:s22], [sflag:$0xC], $0x2000, $0x38;
	[tilespmem:$0x16400] =	vst v63  }
0xc6: {  	_ =	swait.ge [sflag:s26], $0x2000  }
0xc7: {  	[sflag:s26] =	ssyncset.done $0x0  }
0xc8: {  	s14 =	rddreg [dreg:$0x11];
	[sflag:s26] =	ssyncadd.s32 $0xFFFFE000  }
0xc9: {  	[hbm4b:s14+s3] =	stream.linear.scatter [tilespmem:s24], [sflag:$0xD], $0x2000, $0x38;
	[tilespmem:$0x16400] =	vst v63  }
0xca: {  	_ =	swait.ge [sflag:s0], $0x2000  }
0xcb: {  	[sflag:s0] =	ssyncset.done $0x0  }
0xcc: {  	s15 =	rddreg [dreg:$0x12];
	[sflag:s0] =	ssyncadd.s32 $0xFFFFE000  }
0xcd: {  	[hbm4b:s15+s3] =	stream.linear.scatter [tilespmem:s28], [sflag:$0xE], $0x2000, $0x38;
	[tilespmem:$0x16400] =	vst v63  }
0xce: {  	_ =	swait.ge [sflag:s7], $0x2000  }
0xcf: {  	[sflag:s7] =	ssyncset.done $0x0  }
0xd0: {  	s6 =	rddreg [dreg:$0x13];
	[sflag:s7] =	ssyncadd.s32 $0xFFFFE000  }
0xd1: {  	[hbm4b:s6+s3] =	stream.linear.scatter [tilespmem:s31], [sflag:$0xF], $0x2000, $0x38;
	[tilespmem:$0x16400] =	vst v63  }
0xd2: {  	_ =	swait.ge [sflag:s9], $0x2000  }
0xd3: {  	[sflag:s9] =	ssyncset.done $0x0  }
0xd4: {  	s14 =	rddreg [dreg:$0x14];
	[sflag:s9] =	ssyncadd.s32 $0xFFFFE000  }
0xd5: {  	[hbm4b:s14+s3] =	stream.linear.scatter [tilespmem:s19], [sflag:$0x10], $0x2000, $0x38;
	[tilespmem:$0x16400] =	vst v63  }
0xd6: {  	_ =	swait.ge [sflag:s23], $0x2000  }
0xd7: {  	[sflag:s23] =	ssyncset.done $0x0  }
0xd8: {  	[sflag:s23] =	ssyncadd.s32 $0xFFFFE000  }
0xd9: {  	_ =	swait.ge [sflag:s30], $0x2000  }
0xda: {  	[sflag:s30] =	ssyncset.done $0x0  }
0xdb: {  	[sflag:s30] =	ssyncadd.s32 $0xFFFFE000  }
0xdc: {  	_ =	swait.ge [sflag:s5], $0x2000  }
0xdd: {  	[sflag:s5] =	ssyncset.done $0x0  }
0xde: {  	[sflag:s5] =	ssyncadd.s32 $0xFFFFE000  }
0xdf: {  	_ =	swait.ge [sflag:s8], $0x2000  }
0xe0: {  	[sflag:s8] =	ssyncset.done $0x0  }
0xe1: {  	[sflag:s8] =	ssyncadd.s32 $0xFFFFE000  }
0xe2: {  	_ =	swait.ge [sflag:s10], $0x2000  }
0xe3: {  	[sflag:s10] =	ssyncset.done $0x0  }
0xe4: {  	[sflag:s10] =	ssyncadd.s32 $0xFFFFE000  }
0xe5: {  	_ =	swait.ge [sflag:s11], $0x2000  }
0xe6: {  	[sflag:s11] =	ssyncset.done $0x0  }
0xe7: {  	[sflag:s11] =	ssyncadd.s32 $0xFFFFE000  }
0xe8: {  	_ =	swait.ge [sflag:s12], $0x2000  }
0xe9: {  	[sflag:s12] =	ssyncset.done $0x0  }
0xea: {  	[sflag:s12] =	ssyncadd.s32 $0xFFFFE000  }
0xeb: {  	_ =	swait.ge [sflag:s13], $0x2000  }
0xec: {  	s6 =	rddreg [dreg:$0x16]  }
0xed: {  	s15 =	rddreg [dreg:$0x15];
	s6 =	sadd.s32 $0x1, s6  }
0xee: {  	p0 =	sne.s32 s6, s15  }
.Ltmp1:
0xef: {  	_ = 	snop;
	(pc) =	sbr.rel @p0 .LBB2_1-.Ltmp1, $3  }
0xf0: {  	_ =	sdelay $0x1  }
0xf1: {  	[sflag:s13] =	ssyncset.done $0x0  }
0xf2: {  	[sflag:s13] =	ssyncadd.s32 $0xFFFFE000  }
0xf3: {  	_ =	sfence.sel $0x180000  }
0xf4: {  	[bflag:$0x0] =	sbarrier.arrive $0xFFFF  }
0xf5: {  	_ =	strace $0x90000047  }
0xf6: {  	s0 =	stileid.u32;
	[bflag:$0x2] =	sbarrier.arrive $0xFFFF  }
0xf7: {  	p0 =	sne.s32 s0, $0x0;
	s0 =	rddreg [dreg:$0x3]  }
0xf8: {  	s0 =	sadd.s32 @!p0 $0x100000, s0  }
0xf9: {  	[sflag:s0] =	ssyncadd.tile.s32 @!p0 $0x1;
	_ =	shalt  }
.Lfunc_end2:
_tile_overlayer_lowered:
.L_overlay_start_2:
0xfa: {  	(tag) =	ssettag $0x2  }
0xfb: {  	s0 =	rddreg [dreg:$0x0];
	s2 =	stileid.u32  }
0xfc: {  	s1 =	rddreg [dreg:$0x1];
	p0 =	sne.s32 s2, $0x0  }
0xfd: {  	s3 =	rddreg [dreg:$0x2];
	[bflag:$0x3] =	sbarrier.arrive $0xFFFF;
	s2 =	simm.s32 @!p0 $0x1C11  }
0xfe: {  	[timem:s3], [sflag:s2] =	dma.local @!p0 [hbm:s0], s1  }
0xff: {  	s0 =	simm.s32 @!p0 $0x11  }
0x100: {  	_ =	swait.ge @!p0 [sflag:s0], s1  }
0x101: {  	s1 =	ssub.s32 @!p0 $0x0, s1;
	[sflag:s0] =	ssyncset.done @!p0 $0x0  }
0x102: {  	[sflag:s0] =	ssyncadd.s32 @!p0 s1  }
0x103: {  	[bflag:$0x3] =	sbarrier.arrive $0xFFFF  }
0x104: {  	_ =	shalt  }

// kernel: sparse-core-data-format-call.cloned.1.call-start
scs
called_computation_lowered:
.L_overlay_start_0:
0x0: {  	s2 =	sld [smem:$0x3FD9]  }
0x1: {  	s3 =	sld [smem:$0x3FFE];
	_ =	sdelay $0x1  }
0x2: {  	s1 =	srdreg.scid  }
0x3: {  	s0 =	sand.u32 $0x1, s1  }
0x4: {  	s18 =	sshll.u32 s0, $0xA;
	s2 =	sadd.s32 s3, s2  }
0x5: {  	s2 =	sadd.s32 s2, s18  }
0x6: {  	[smem:$0x3FC6] =	sst s2  }
0x7: {  	_ = 	snop  }
0x8: {  	s2 =	sld [smem:$0x3FD0];
	(tm) =	ssettm $0x1  }
0x9: {  	s19 =	sld [smem:$0x3FFB];
	_ =	sdelay $0x3  }
0xa: {  	_ =	strace s19  }
0xb: {  	s3 =	sld [smem:$0x3FFC];
	_ =	sdelay $0x3  }
0xc: {  	_ =	strace s3  }
0xd: {  	s3 =	sld [smem:$0x3FFD];
	_ =	sdelay $0x3  }
0xe: {  	_ =	strace s3  }
0xf: {  	_ =	strace $0x8FFFFFFF  }
0x10: {  	s20 =	sld [smem:$0x3FDB];
	_ =	sdelay $0x1  }
0x11: {  	s4 =	simm.s32 $_scs_section_size  }
0x12: {  	s5 =	simm.s32 $_size__tile_overlayer_lowered;
	s6 =	simm.s32 $_tile_overlayer_lowered  }
0x13: {  	s23 =	simm.s32 $0x1BFF;
	s22 =	sshll.u32 s6, $0x1;
	s3 =	sadd.s32 s4, s20  }
0x14: {  	s7 =	simm.s32 $0x0;
	s21 =	sshll.u32 s5, $0x1;
	s5 =	sadd.s32 s22, s3  }
0x15: {  	[timem:s7], [sflag:s23] =	dma.local [hbm:s5], s21  }
0x16: {  	_ =	swait.ge [sflag:s23], s21  }
0x17: {  	s4 =	ssub.s32 $0x0, s21;
	[sflag:s23] =	ssyncset.done $0x0  }
0x18: {  	[sflag:s23] =	ssyncadd.s32 s4;
	_ =	sdelay $0x1  }
0x19: {  	s24 =	simm.s32 $0x1B8B  }
0x1a: {  	_ =	swait.ge [sflag:s24], $0x1  }
0x1b: {  	[sflag:s24] =	ssyncset.done $0x0  }
0x1c: {  	s26 =	simm.s32 $0x1B8E;
	s25 =	sld [smem:$0x3FFE];
	[sflag:s24] =	ssyncadd.s32 $0xFFFFFFFF  }
0x1d: {  	s27 =	simm.s32 $execute0_lowered;
	[smem:$0x3FD2] =	sst s26  }
0x1e: {  	s5 =	sshll.u32 s27, $0x1;
	_ =	strace $0x80000049;
	[dreg:$0x1] =	wrdreg $0xFFFFFFFF  }
0x1f: {  	s28 =	simm.s32 $_size_execute0_lowered;
	s3 =	sadd.s32 s3, s5;
	[dreg:$0x0] =	wrdreg $0x0  }
0x20: {  	s5 =	sshll.u32 s28, $0x1;
	[dreg:$0x2] =	wrdreg s3  }
0x21: {  	[dreg:$0x3] =	wrdreg s5  }
0x22: {  	[dreg:$0x4] =	wrdreg $0xC0  }
0x23: {  	_ =	task [dreg:s7], $0x5FFFF  }
0x24: {  	[dreg:$0x1] =	wrdreg $0xFFFFFFFF  }
0x25: {  	[dreg:$0x0] =	wrdreg $0x60  }
0x26: {  	[dreg:$0x2] =	wrdreg s25  }
0x27: {  	[dreg:$0x3] =	wrdreg s2  }
0x28: {  	[dreg:$0x4] =	wrdreg $0x9  }
0x29: {  	_ =	task.clear_ibuf [dreg:s7], $0x5FFFF;
	_ =	strace $0x90000049  }
0x2a: {  	s29 =	simm.s32 $0x9;
	_ =	strace $0x8000004B  }
0x2b: {  	_ =	swait.ge [sflag:s29], $0x1  }
0x2c: {  	[sflag:s29] =	ssyncadd.s32 $0xFFFFFFFF  }
0x2d: {  	_ =	strace $0x9000004B  }
0x2e: {  	_ =	sfence  }
0x2f: {  	s30 =	sld [smem:$0x0];
	_ =	sdelay $0x2  }
0x30: {  	s31 =	sshll.u32 s1, $0xD;
	s1 =	sshrl.u32 s1, $0x2  }
0x31: {  	s3 =	sand.u32 $0x4000, s31;
	s1 =	sadd.s32 s1, s30  }
0x32: {  	s0 =	sor.u32 s3, s0;
	s1 =	sshll.u32 s1, $0x11  }
0x33: {  	s0 =	sor.u32 s1, s0  }
0x34: {  	s0 =	sadd.s32 $0x8F2B, s0  }
0x35: {  	[sflag:s0] =	ssyncadd.remote.s32 $0x1  }
0x36: {  	_ =	sfence.sel $0xFFFF  }
0x37: {  	[dreg:$0x0] =	wrdreg $0xFFFFFFFF;
	(pc) =	sbr.abs _section_cstart, $3  }
0x38: {  	[dreg:$0x1] =	wrdreg $0xFFFFFFFF  }
0x39: {  	_ =	task.clear_ibuf [dreg:s7], $0x2FFFF;
	_ =	strace $0x9FFFFFFF  }
0x3a: {  	(tm) =	ssettm $0x7FFFFFFF  }
0x3b: {  	_ =	shalt  }
tec
execute0_lowered:
.L_overlay_start_1:
0x0: {  	(tag) =	ssettag $0x1  }
0x1: {  	s0 =	srdreg.scid  }
0x2: {  	s1 =	sshll.u32 s0, $0x4  }
0x3: {  	s4 =	rddreg [dreg:$0x0];
	s0 =	stileid.u32;
	s1 =	sand.u32 $0x10, s1  }
0x4: {  	s2 =	rddreg [dreg:$0x1];
	s7 =	simm.s32 $0x1;
	s1 =	sor.u32 s0, s1  }
0x5: {  	s8 =	simm.s32 $0x2;
	s11 =	simm.s32 $0x0;
	s3 =	sshll.u32 s1, $0x7  }
0x6: {  	s10 =	simm.s32 $0x0;
	s4 =	sadd.s32 $0x800, s4;
	s6 =	ssub.s32 $0xC8000, s3  }
.Ltmp0:
0x7: {  	s1 =	rddreg [dreg:$0x2];
	s5 =	sand.u32 $0xF80, s6;
	(pc) =	sbr.rel .LBB1_1-.Ltmp0, $4  }
0x8: {  	_ =	strace $0x8000004A;
	s9 =	smov.u32 s3;
	p0 =	sne.s32 s5, $0x0  }
0x9: {  	s6 =	sshrl.u32 s6, $0xC;
	s5 =	simm.s32 $0x1;
	s7 =	simm.s32 @!p0 $0x0  }
0xa: {  	[sflag:s5] =	ssyncpa.u1 $0x0;
	p0 =	por $0x0, $0x0;
	s6 =	sadd.s32 s7, s6  }
0xb: {  	[sflag:s8] =	ssyncpa.u1 $0x0;
	s8 =	simm.s32 $0x640000;
	s7 =	sadd.s32 $0x1, s6  }
.LBB1_4:
0xc: {  	s14 =	sshll.u32 s11, $0x3  }
0xd: {  	s30 =	sand.u32 $0x7F, s11;
	s15 =	sand.u32 $0xFFFFFC00, s14  }
0xe: {  	s11 =	sor.u32 s30, s15  }
0xf: {  	s15 =	smulhi.u32 $0x51EB851F, s11  }
0x10: {  	s14 =	smulhi.u32 $0x51EB851F, s14  }
0x11: {  	s15 =	sshrl.u32 s15, $0x12  }
0x12: {  	s14 =	sshrl.u32 s14, $0x12;
	s15 =	smul.u32 $0xC8000, s15  }
0x13: {  	s14 =	sand.u32 $0x3F, s14  }
0x14: {  	s14 =	smul.u32 $0x19000, s14;
	s11 =	ssub.s32 s11, s15  }
0x15: {  	[tilespmem:s13+$0x810 ss:$0x81] =	vst.msk $0xffff, v2;
	s15 =	sand.u32 $0x7, s11  }
0x16: {  	[tilespmem:s13+$0x1020 ss:$0x81] =	vst.msk $0xffff, v0;
	s14 =	sadd.s32 s2, s14;
	s11 =	sshrl.u32 s11, $0x3;
	s15 =	sshll.u32 s15, $0x12  }
0x17: {  	[tilespmem:s13+$0x0 ss:$0x81] =	vst.msk $0xffff, v1;
	s11 =	sadd.s32 s11, s14;
	s31 =	sor.u32 $0x400, s15  }
0x18: {  	[hbm4b:s11+s31] =	stream.strided.scatter [tilespmem:s12], [sflag:$0x2], $0x2000, s8, s31, $0x20;
	[tilespmem:$0x8080] =	vst v63  }
.LBB1_5:
0x19: {  	s13 =	sadd.s32 $0x1000, s9  }
0x1a: {  	p2 =	sgt.s32 s13, $0xC7FFF  }
0x1b: {  	s13 =	smov.u32 @p2 s3;
	p2 =	sne.s32 s10, s7  }
.Ltmp1:
0x1c: {  	p1 =	slt.u32 s10, $0x2;
	(pc) =	sbr.rel @!p2 .LBB1_6-.Ltmp1, $4  }
0x1d: {  	s12 =	simm.s32 @!p1 $0x2  }
0x1e: {  	s14 =	sadd.s32 $0x1, s10;
	_ =	swait.ge @!p1 [sflag:s12], $0x2000  }
0x1f: {  	s11 =	smov.u32 s9;
	p0 =	por !p0, !p0;
	[sflag:s12] =	ssyncset.done @!p1 $0x0  }
0x20: {  	s10 =	smov.u32 s14;
	s9 =	smov.u32 s13;
	[sflag:s12] =	ssyncadd.s32 @!p1 $0xFFFFE000  }
.LBB1_1:
0x21: {  	p1 =	sge.u32 s10, s6  }
0x22: {  	s12 =	sand.u32 @!p1 $0x1FFFFFF, s9  }
0x23: {  	s13 =	smulhi.u32 @!p1 $0x147AE15, s12;
	_ =	sdelay $0x1  }
0x24: {  	s13 =	sshrl.u32 @!p1 s13, $0xC  }
0x25: {  	s13 =	smul.u32 @!p1 $0xC8000, s13;
	_ =	sdelay $0x1  }
0x26: {  	s31 =	sadd.s32 $0xFFFFFFFF, s10;
	s14 =	sxor.u32 @!p1 $0xFFFFFFFF, s10;
	s12 =	ssub.s32 @!p1 s12, s13  }
0x27: {  	s15 =	simm.s32 @!p1 $0x80;
	s14 =	sshll.u32 @!p1 s14, $0xD;
	s12 =	sshll.u32 @!p1 s12, $0x4  }
0x28: {  	s13 =	sand.u32 @!p1 $0x2000, s14;
	s14 =	simm.s32 @!p1 $0x40;
	s12 =	sadd.s32 @!p1 s4, s12  }
0x29: {  	[tilespmem:s13], [sflag:$0x1] =	stream.strided.gather @!p1 [hbm4b:s12+s14], $0x2000, s15, s14, $0x38;
	[tilespmem:$0x8080] =	vst v63  }
0x2a: {  	p1 =	sge.u32 s31, s6  }
.Ltmp2:
0x2b: {  	_ = 	snop;
	(pc) =	sbr.rel @p1 .LBB1_5-.Ltmp2, $1  }
0x2c: {  	_ =	sdelay $0x3  }
0x2d: {  	s12 =	simm.s32 $0x1  }
0x2e: {  	_ =	swait.ge [sflag:s5], $0x2000;
	s12 =	simm.s32 @!p0 $0x0  }
0x2f: {  	[sflag:s5] =	ssyncset.done $0x0;
	s13 =	sshll.u32 s12, $0xD  }
0x30: {  	[sflag:s5] =	ssyncadd.s32 $0xFFFFE000;
	s16 =	sor.u32 $0x20, s13  }
0x31: {  	s12 =	smul.u32 $0x8100, s12;
	v3 =	vld [tilespmem:s16+$0x10]  }
0x32: {  	s30 =	sand.u32 $0x1, s10;
	v2 =	vld [tilespmem:s16+$0xFFFFFFF0]  }
0x33: {  	s13 =	smul.u32 $0x8100, s30;
	s12 =	sshrl.u32 s12, $0x2;
	v0 =	vld [tilespmem:s16+$0x0]  }
0x34: {  	v1 =	vld [tilespmem:s16+$0xFFFFFFE0];
	s14 =	sor.u32 $0x4000, s12  }
0x35: {  	s31 =	sshrl.u32 s13, $0x2;
	s13 =	sadd.s32 $0x0, s14  }
0x36: {  	s15 =	simm.s32 $0x4;
	s16 =	sadd.s32 $0x40, s16;
	s12 =	sor.u32 $0x4000, s31;
	[tilespmem:s13+$0x1830 ss:$0x81] =	vst.msk $0xffff, v3  }
.LBB1_3:
0x37: {  	v3 =	vld [tilespmem:s16+$0x10];
	p1 =	sne.s32 s15, $0x1FC;
	[tilespmem:s13+$0x810 ss:$0x81] =	vst.msk $0xffff, v2;
	s17 =	smov.u32 s15;
	s15 =	sadd.s32 $0x4, s15  }
.Ltmp3:
0x38: {  	v2 =	vld [tilespmem:s16+$0xFFFFFFF0];
	[tilespmem:s13+$0x1020 ss:$0x81] =	vst.msk $0xffff, v0;
	(pc) =	sbr.rel @p1 .LBB1_3-.Ltmp3, $4  }
0x39: {  	v0 =	vld [tilespmem:s16+$0x0];
	[tilespmem:s13+$0x0 ss:$0x81] =	vst.msk $0xffff, v1  }
0x3a: {  	s13 =	sshra.s32 s17, $0x2;
	v1 =	vld [tilespmem:s16+$0xFFFFFFE0]  }
0x3b: {  	s13 =	sadd.s32 s13, s14  }
0x3c: {  	s16 =	sadd.s32 $0x40, s16;
	[tilespmem:s13+$0x1830 ss:$0x81] =	vst.msk $0xffff, v3  }
.Ltmp4:
0x3d: {  	_ = 	snop;
	(pc) =	sbr.rel .LBB1_4-.Ltmp4, $1  }
0x3e: {  	_ =	sdelay $0x3  }
.LBB1_6:
0x3f: {  	_ =	sfence.sel $0x180000  }
0x40: {  	s2 =	simm.s32 $0x1;
	[bflag:$0x0] =	sbarrier.arrive $0xFFFF  }
0x41: {  	s31 =	simm.s32 $0x2;
	[sflag:s2] =	ssyncpa.u1 $0x1  }
0x42: {  	[sflag:s31] =	ssyncpa.u1 $0x1  }
0x43: {  	p0 =	sne.s32 s0, $0x0;
	_ =	strace $0x9000004A  }
0x44: {  	s0 =	sadd.s32 @!p0 $0x100000, s1;
	[bflag:$0x2] =	sbarrier.arrive $0xFFFF  }
0x45: {  	[sflag:s0] =	ssyncadd.tile.s32 @!p0 $0x1;
	_ =	shalt  }
.Lfunc_end1:
_tile_overlayer_lowered:
.L_overlay_start_2:
0x46: {  	(tag) =	ssettag $0x2  }
0x47: {  	s0 =	rddreg [dreg:$0x0];
	s2 =	stileid.u32  }
0x48: {  	s1 =	rddreg [dreg:$0x1];
	p0 =	sne.s32 s2, $0x0  }
0x49: {  	s3 =	rddreg [dreg:$0x2];
	[bflag:$0x3] =	sbarrier.arrive $0xFFFF;
	s2 =	simm.s32 @!p0 $0x1C01  }
0x4a: {  	[timem:s3], [sflag:s2] =	dma.local @!p0 [hbm:s0], s1  }
0x4b: {  	s0 =	simm.s32 @!p0 $0x1  }
0x4c: {  	_ =	swait.ge @!p0 [sflag:s0], s1  }
0x4d: {  	s1 =	ssub.s32 @!p0 $0x0, s1;
	[sflag:s0] =	ssyncset.done @!p0 $0x0  }
0x4e: {  	[sflag:s0] =	ssyncadd.s32 @!p0 s1  }
0x4f: {  	[bflag:$0x3] =	sbarrier.arrive $0xFFFF  }
0x50: {  	_ =	shalt  }

</sc_bundles>
